<compile_context>
chip_gen: v7x
topology: tpu7x:2x2x1
jax: 0.10.2.dev20260603
libtpu: 0.0.44.dev20260713+nightly
codegen_flags: <defaults>
</compile_context>

<pallas_src>
import functools

import jax
import jax.numpy as jnp
from jax import lax
from jax.experimental import pallas as pl
from jax.experimental.pallas import tpu as pltpu
from jax.experimental.pallas import tpu_sc as plsc

_NC = 2
_NS = 16
_NW = _NC * _NS
_L = 16
_CH = 128


def _gather_act(idx, table):
    n = idx.shape[0]
    v, d = table.shape
    n_per_w = n // _NW
    n_ch = n_per_w // _CH

    mesh = plsc.VectorSubcoreMesh(core_axis_name="c", subcore_axis_name="s")

    @functools.partial(
        pl.kernel,
        mesh=mesh,
        out_type=jax.ShapeDtypeStruct((n, d), jnp.float32),
        scratch_types=[
            pltpu.VMEM((n_per_w,), jnp.int32),
            pltpu.VMEM((_CH, d), jnp.float32),
            pltpu.VMEM((_CH, d), jnp.float32),
            pltpu.VMEM((_CH, d), jnp.float32),
            pltpu.VMEM((_CH, d), jnp.float32),
            pltpu.SemaphoreType.DMA,
            pltpu.SemaphoreType.DMA,
            pltpu.SemaphoreType.DMA,
            pltpu.SemaphoreType.DMA,
        ],
        compiler_params=pltpu.CompilerParams(
            needs_layout_passes=False, use_tc_tiling_on_sc=False
        ),
    )
    def k(idx_hbm, tbl_hbm, out_hbm, idx_v, r0, r1, o0, o1,
          sg0, sg1, so0, so1):
        wid = lax.axis_index("s") * _NC + lax.axis_index("c")
        base = wid * n_per_w
        rows = (r0, r1)
        obs = (o0, o1)
        sg = (sg0, sg1)
        so = (so0, so1)

        pltpu.sync_copy(idx_hbm.at[pl.ds(base, n_per_w)], idx_v)

        for b in range(2):
            pltpu.async_copy(
                tbl_hbm.at[idx_v.at[pl.ds(b * _CH, _CH)]], rows[b], sg[b]
            )

        def chunk(g, _):
            for b in range(2):
                ci = 2 * g + b
                pltpu.make_async_copy(
                    tbl_hbm.at[idx_v.at[pl.ds(0, _CH)]], rows[b], sg[b]
                ).wait()

                @pl.when(ci >= 2)
                def _():
                    pltpu.make_async_copy(
                        obs[b], out_hbm.at[pl.ds(0, _CH)], so[b]
                    ).wait()

                def row(r, _, b=b):
                    xs = [
                        rows[b][r, pl.ds(u * _L, _L)]
                        for u in range(d // _L)
                    ]
                    es = [jnp.exp(x) for x in xs]
                    e2s = [e * e for e in es]
                    d1s = [1.0 + e for e in es]
                    d2s = [1.0 + e2 for e2 in e2s]
                    rs = [1.0 / (d1 * d2) for d1, d2 in zip(d1s, d2s)]
                    ys = [
                        (x * e * d2 + 0.1 * ((e2 - 1.0) * d1)) * r_
                        for x, e, e2, d1, d2, r_ in zip(
                            xs, es, e2s, d1s, d2s, rs
                        )
                    ]
                    for u, y in enumerate(ys):
                        obs[b][r, pl.ds(u * _L, _L)] = y
                    return 0

                lax.fori_loop(0, _CH, row, 0, unroll=False)

                pltpu.async_copy(
                    obs[b], out_hbm.at[pl.ds(base + ci * _CH, _CH)], so[b]
                )

                @pl.when(ci + 2 < n_ch)
                def _():
                    pltpu.async_copy(
                        tbl_hbm.at[idx_v.at[pl.ds((ci + 2) * _CH, _CH)]],
                        rows[b],
                        sg[b],
                    )
            return 0

        lax.fori_loop(0, n_ch // 2, chunk, 0, unroll=False)
        for b in range(2):
            pltpu.make_async_copy(
                obs[b], out_hbm.at[pl.ds(0, _CH)], so[b]
            ).wait()

    return k(idx, table)


def kernel(input_ids, table):
    b, l = input_ids.shape
    v, d = table.shape
    idx = input_ids.reshape(b * l).astype(jnp.int32)
    out = _gather_act(idx, table)
    return out.reshape(b, l, d)

# --- scband reference (transcript-rebuilt; emitter-appended) ---
"""Pipeline reference for scband-patched-embedding-41910290874765 (READ-ONLY COPY).

The authoritative reference and input builder live on the scoring server;
editing this copy changes nothing except your own understanding.
"""

import jax, jax.numpy as jnp
import numpy as np

VOCAB = 1000000
EMBED_DIM = 64
BATCH = 4096
HIST = 50

def setup_inputs(seed: int = 0) -> dict:
    key = jax.random.key(seed)
    k1, k2 = jax.random.split(key)
    input_ids = jax.random.randint(k1, (BATCH, HIST), 0, VOCAB, dtype=jnp.int64 if jax.config.jax_enable_x64 else jnp.int32)
    table = jax.random.normal(k2, (VOCAB, EMBED_DIM), dtype=jnp.float32)
    return {"input_ids": input_ids, "table": table}

def reference(input_ids, table):
    # base_embedding lookup
    emb = jnp.take(table, input_ids, axis=0)  # [B, L, D]
    # AutoMixedActivation: silu(x) + 0.1 * tanh(x)
    out = jax.nn.silu(emb) + 0.1 * jnp.tanh(emb)
    return out

if __name__ == "__main__":
    import jax
    _d = setup_inputs()
    print(jax.jit(kernel)(*tuple(_d.values())))

</pallas_src>

<mosaic_0001>
#map = affine_map<(d0, d1) -> (0)>
#map1 = affine_map<(d0, d1) -> (0, 0)>
module attributes {stable_mosaic.version = 14 : i64} {
  func.func @k(%arg0: i32, %arg1: i32, %arg2: memref<204800xi32, #tpu.memory_space<hbm>>, %arg3: memref<1000000x64xf32, #tpu.memory_space<hbm>>, %arg4: memref<204800x64xf32, #tpu.memory_space<hbm>>, %arg5: memref<6400xi32, #tpu.memory_space<vmem>>, %arg6: memref<128x64xf32, #tpu.memory_space<vmem>>, %arg7: memref<128x64xf32, #tpu.memory_space<vmem>>, %arg8: memref<128x64xf32, #tpu.memory_space<vmem>>, %arg9: memref<128x64xf32, #tpu.memory_space<vmem>>, %arg10: memref<!tpu.dma_semaphore, #tpu.memory_space<semaphore_mem>>, %arg11: memref<!tpu.dma_semaphore, #tpu.memory_space<semaphore_mem>>, %arg12: memref<!tpu.dma_semaphore, #tpu.memory_space<semaphore_mem>>, %arg13: memref<!tpu.dma_semaphore, #tpu.memory_space<semaphore_mem>>) attributes {dimension_semantics = [#tpu.dimension_semantics<core_parallel>, #tpu.dimension_semantics<subcore_parallel>], iteration_bounds = array<i64: 2, 16>, scalar_prefetch = 0 : i64, scratch_operands = 9 : i64, tpu.core_type = #tpu.core_type<sc_vector_subcore>, window_params = [{transform_indices = #map}, {transform_indices = #map1}, {transform_indices = #map1}]} {
    %mul3A = arith.constant 2 : i32
    %mul3A_0 = arith.muli %arg1, %mul3A : i32
    %add3A = arith.addi %mul3A_0, %arg0 : i32
    %mul3A_1 = arith.constant 6400 : i32
    %mul3A_2 = arith.muli %add3A, %mul3A_1 : i32
    "tpu.region"() ({
      %run_scoped3A = tpu.sem_alloc : memref<!tpu.dma_semaphore, #tpu.memory_space<semaphore_mem>>
      %dma_start3A_29 = tpu.memref_slice %arg2[%mul3A_2] : memref<204800xi32, #tpu.memory_space<hbm>> -> memref<6400xi32, #tpu.memory_space<hbm>>
      %dma_start3A_30 = tpu.memref_slice %arg2[%mul3A_2] : memref<204800xi32, #tpu.memory_space<hbm>> -> memref<6400xi32, #tpu.memory_space<hbm>>
      tpu.enqueue_dma source(%dma_start3A_30 : memref<6400xi32, #tpu.memory_space<hbm>>) target(%arg5 : memref<6400xi32, #tpu.memory_space<vmem>>) target_semaphore(%run_scoped3A : memref<!tpu.dma_semaphore, #tpu.memory_space<semaphore_mem>>)
      %dma_wait3A_31 = tpu.memref_slice %arg2[%mul3A_2] : memref<204800xi32, #tpu.memory_space<hbm>> -> memref<6400xi32, #tpu.memory_space<hbm>>
      %dma_wait3A_32 = tpu.memref_slice %arg2[%mul3A_2] : memref<204800xi32, #tpu.memory_space<hbm>> -> memref<6400xi32, #tpu.memory_space<hbm>>
      tpu.wait_dma2 semaphore(%run_scoped3A : memref<!tpu.dma_semaphore, #tpu.memory_space<semaphore_mem>>) src(%dma_wait3A_32 : memref<6400xi32, #tpu.memory_space<hbm>>) dst(%arg5 : memref<6400xi32, #tpu.memory_space<vmem>>)
      tpu.yield
    }) : () -> ()
    %dma_start3A = arith.constant 0 : i32
    %dma_start3A_3 = tpu.memref_slice %arg5[%dma_start3A] : memref<6400xi32, #tpu.memory_space<vmem>> -> memref<128xi32, #tpu.memory_space<vmem>>
    %dma_start3A_4 = arith.constant 0 : i32
    %dma_start3A_5 = arith.constant 0 : i32
    %dma_start3A_6 = tpu.memref_slice %arg3[%dma_start3A_4, %dma_start3A_5] : memref<1000000x64xf32, #tpu.memory_space<hbm>> -> memref<1000000x64xf32, #tpu.memory_space<hbm>>
    tpu.enqueue_indirect_dma source(%dma_start3A_6 : memref<1000000x64xf32, #tpu.memory_space<hbm>>) target(%arg6 : memref<128x64xf32, #tpu.memory_space<vmem>>) offsets(%dma_start3A_3 : memref<128xi32, #tpu.memory_space<vmem>>) semaphore(%arg10 : memref<!tpu.dma_semaphore, #tpu.memory_space<semaphore_mem>>)
    %dma_start3A_7 = arith.constant 128 : i32
    %dma_start3A_8 = tpu.memref_slice %arg5[%dma_start3A_7] : memref<6400xi32, #tpu.memory_space<vmem>> -> memref<128xi32, #tpu.memory_space<vmem>>
    %dma_start3A_9 = arith.constant 0 : i32
    %dma_start3A_10 = arith.constant 0 : i32
    %dma_start3A_11 = tpu.memref_slice %arg3[%dma_start3A_9, %dma_start3A_10] : memref<1000000x64xf32, #tpu.memory_space<hbm>> -> memref<1000000x64xf32, #tpu.memory_space<hbm>>
    tpu.enqueue_indirect_dma source(%dma_start3A_11 : memref<1000000x64xf32, #tpu.memory_space<hbm>>) target(%arg7 : memref<128x64xf32, #tpu.memory_space<vmem>>) offsets(%dma_start3A_8 : memref<128xi32, #tpu.memory_space<vmem>>) semaphore(%arg11 : memref<!tpu.dma_semaphore, #tpu.memory_space<semaphore_mem>>)
    %scan3A = arith.constant 0 : i32
    %scan3A_12 = arith.constant 0 : i32
    %scan3A_13 = arith.constant 25 : i32
    %scan3A_14 = arith.addi %scan3A_12, %scan3A_13 : i32
    %scan3A_15 = arith.constant 1 : i32
    %scan3A_16 = scf.for %scan3A_29 = %scan3A_12 to %scan3A_14 step %scan3A_15 iter_args(%scan3A_30 = %scan3A) -> (i32)  : i32 {
      %mul3A_31 = arith.constant 2 : i32
      %mul3A_32 = arith.muli %mul3A_31, %scan3A_29 : i32
      %add3A_33 = arith.constant 0 : i32
      %add3A_34 = arith.addi %mul3A_32, %add3A_33 : i32
      %dma_wait3A_35 = arith.constant 0 : i32
      %dma_wait3A_36 = tpu.memref_slice %arg5[%dma_wait3A_35] : memref<6400xi32, #tpu.memory_space<vmem>> -> memref<128xi32, #tpu.memory_space<vmem>>
      %dma_wait3A_37 = arith.constant 0 : i32
      %dma_wait3A_38 = arith.constant 0 : i32
      %dma_wait3A_39 = tpu.memref_slice %arg3[%dma_wait3A_37, %dma_wait3A_38] : memref<1000000x64xf32, #tpu.memory_space<hbm>> -> memref<1000000x64xf32, #tpu.memory_space<hbm>>
      tpu.wait_indirect_dma semaphore(%arg10 : memref<!tpu.dma_semaphore, #tpu.memory_space<semaphore_mem>>) src(%dma_wait3A_39 : memref<1000000x64xf32, #tpu.memory_space<hbm>>) dst(%arg6 : memref<128x64xf32, #tpu.memory_space<vmem>>)
      %ge3A = arith.constant 2 : i32
      %ge3A_40 = arith.cmpi sge, %add3A_34, %ge3A : i32
      %convert_element_type3A = arith.extui %ge3A_40 : i1 to i32
      %cond3A = arith.constant 0 : i32
      %cond3A_41 = arith.cmpi ne, %convert_element_type3A, %cond3A : i32
      scf.if %cond3A_41 {
        %dma_wait3A_98 = arith.constant 0 : i32
        %dma_wait3A_99 = arith.constant 0 : i32
        %dma_wait3A_100 = tpu.memref_slice %arg4[%dma_wait3A_98, %dma_wait3A_99] : memref<204800x64xf32, #tpu.memory_space<hbm>> -> memref<128x64xf32, #tpu.memory_space<hbm>>
        %dma_wait3A_101 = arith.constant 0 : i32
        %dma_wait3A_102 = arith.constant 0 : i32
        %dma_wait3A_103 = tpu.memref_slice %arg4[%dma_wait3A_101, %dma_wait3A_102] : memref<204800x64xf32, #tpu.memory_space<hbm>> -> memref<128x64xf32, #tpu.memory_space<hbm>>
        tpu.wait_dma2 semaphore(%arg12 : memref<!tpu.dma_semaphore, #tpu.memory_space<semaphore_mem>>) src(%arg8 : memref<128x64xf32, #tpu.memory_space<vmem>>) dst(%dma_wait3A_103 : memref<128x64xf32, #tpu.memory_space<hbm>>)
      } else {
      }
      %scan3A_42 = arith.constant 0 : i32
      %scan3A_43 = arith.constant 0 : i32
      %scan3A_44 = arith.constant 128 : i32
      %scan3A_45 = arith.addi %scan3A_43, %scan3A_44 : i32
      %scan3A_46 = arith.constant 1 : i32
      %scan3A_47 = scf.for %scan3A_98 = %scan3A_43 to %scan3A_45 step %scan3A_46 iter_args(%scan3A_99 = %scan3A_42) -> (i32)  : i32 {
        %get3A = arith.index_cast %scan3A_98 : i32 to index
        %get3A_100 = arith.constant 0 : index
        %get3A_101 = tpu.vector_load %arg6[%get3A, %get3A_100] {strides = array<i32>} : memref<128x64xf32, #tpu.memory_space<vmem>>, vector<16xf32>,
        %get3A_102 = arith.index_cast %scan3A_98 : i32 to index
        %get3A_103 = arith.constant 16 : index
        %get3A_104 = tpu.vector_load %arg6[%get3A_102, %get3A_103] {strides = array<i32>} : memref<128x64xf32, #tpu.memory_space<vmem>>, vector<16xf32>,
        %get3A_105 = arith.index_cast %scan3A_98 : i32 to index
        %get3A_106 = arith.constant 32 : index
        %get3A_107 = tpu.vector_load %arg6[%get3A_105, %get3A_106] {strides = array<i32>} : memref<128x64xf32, #tpu.memory_space<vmem>>, vector<16xf32>,
        %get3A_108 = arith.index_cast %scan3A_98 : i32 to index
        %get3A_109 = arith.constant 48 : index
        %get3A_110 = tpu.vector_load %arg6[%get3A_108, %get3A_109] {strides = array<i32>} : memref<128x64xf32, #tpu.memory_space<vmem>>, vector<16xf32>,
        %exp3A = math.exp %get3A_101 : vector<16xf32>
        %exp3A_111 = math.exp %get3A_104 : vector<16xf32>
        %exp3A_112 = math.exp %get3A_107 : vector<16xf32>
        %exp3A_113 = math.exp %get3A_110 : vector<16xf32>
        %mul3A_114 = arith.mulf %exp3A, %exp3A : vector<16xf32>
        %mul3A_115 = arith.mulf %exp3A_111, %exp3A_111 : vector<16xf32>
        %mul3A_116 = arith.mulf %exp3A_112, %exp3A_112 : vector<16xf32>
        %mul3A_117 = arith.mulf %exp3A_113, %exp3A_113 : vector<16xf32>
        %add3A_118 = arith.constant 1.000000e+00 : f32
        %add3A_119 = vector.broadcast %add3A_118 : f32 to vector<16xf32>
        %add3A_120 = arith.addf %add3A_119, %exp3A : vector<16xf32>
        %add3A_121 = arith.constant 1.000000e+00 : f32
        %add3A_122 = vector.broadcast %add3A_121 : f32 to vector<16xf32>
        %add3A_123 = arith.addf %add3A_122, %exp3A_111 : vector<16xf32>
        %add3A_124 = arith.constant 1.000000e+00 : f32
        %add3A_125 = vector.broadcast %add3A_124 : f32 to vector<16xf32>
        %add3A_126 = arith.addf %add3A_125, %exp3A_112 : vector<16xf32>
        %add3A_127 = arith.constant 1.000000e+00 : f32
        %add3A_128 = vector.broadcast %add3A_127 : f32 to vector<16xf32>
        %add3A_129 = arith.addf %add3A_128, %exp3A_113 : vector<16xf32>
        %add3A_130 = arith.constant 1.000000e+00 : f32
        %add3A_131 = vector.broadcast %add3A_130 : f32 to vector<16xf32>
        %add3A_132 = arith.addf %add3A_131, %mul3A_114 : vector<16xf32>
        %add3A_133 = arith.constant 1.000000e+00 : f32
        %add3A_134 = vector.broadcast %add3A_133 : f32 to vector<16xf32>
        %add3A_135 = arith.addf %add3A_134, %mul3A_115 : vector<16xf32>
        %add3A_136 = arith.constant 1.000000e+00 : f32
        %add3A_137 = vector.broadcast %add3A_136 : f32 to vector<16xf32>
        %add3A_138 = arith.addf %add3A_137, %mul3A_116 : vector<16xf32>
        %add3A_139 = arith.constant 1.000000e+00 : f32
        %add3A_140 = vector.broadcast %add3A_139 : f32 to vector<16xf32>
        %add3A_141 = arith.addf %add3A_140, %mul3A_117 : vector<16xf32>
        %mul3A_142 = arith.mulf %add3A_120, %add3A_132 : vector<16xf32>
        %div3A = arith.constant 1.000000e+00 : f32
        %div3A_143 = vector.broadcast %div3A : f32 to vector<16xf32>
        %div3A_144 = arith.divf %div3A_143, %mul3A_142 : vector<16xf32>
        %mul3A_145 = arith.mulf %add3A_123, %add3A_135 : vector<16xf32>
        %div3A_146 = arith.constant 1.000000e+00 : f32
        %div3A_147 = vector.broadcast %div3A_146 : f32 to vector<16xf32>
        %div3A_148 = arith.divf %div3A_147, %mul3A_145 : vector<16xf32>
        %mul3A_149 = arith.mulf %add3A_126, %add3A_138 : vector<16xf32>
        %div3A_150 = arith.constant 1.000000e+00 : f32
        %div3A_151 = vector.broadcast %div3A_150 : f32 to vector<16xf32>
        %div3A_152 = arith.divf %div3A_151, %mul3A_149 : vector<16xf32>
        %mul3A_153 = arith.mulf %add3A_129, %add3A_141 : vector<16xf32>
        %div3A_154 = arith.constant 1.000000e+00 : f32
        %div3A_155 = vector.broadcast %div3A_154 : f32 to vector<16xf32>
        %div3A_156 = arith.divf %div3A_155, %mul3A_153 : vector<16xf32>
        %mul3A_157 = arith.mulf %get3A_101, %exp3A : vector<16xf32>
        %mul3A_158 = arith.mulf %mul3A_157, %add3A_132 : vector<16xf32>
        %sub3A = arith.constant 1.000000e+00 : f32
        %sub3A_159 = vector.broadcast %sub3A : f32 to vector<16xf32>
        %sub3A_160 = arith.subf %mul3A_114, %sub3A_159 : vector<16xf32>
        %mul3A_161 = arith.mulf %sub3A_160, %add3A_120 : vector<16xf32>
        %mul3A_162 = arith.constant 1.000000e-01 : f32
        %mul3A_163 = vector.broadcast %mul3A_162 : f32 to vector<16xf32>
        %mul3A_164 = arith.mulf %mul3A_163, %mul3A_161 : vector<16xf32>
        %add3A_165 = arith.addf %mul3A_158, %mul3A_164 : vector<16xf32>
        %mul3A_166 = arith.mulf %add3A_165, %div3A_144 : vector<16xf32>
        %mul3A_167 = arith.mulf %get3A_104, %exp3A_111 : vector<16xf32>
        %mul3A_168 = arith.mulf %mul3A_167, %add3A_135 : vector<16xf32>
        %sub3A_169 = arith.constant 1.000000e+00 : f32
        %sub3A_170 = vector.broadcast %sub3A_169 : f32 to vector<16xf32>
        %sub3A_171 = arith.subf %mul3A_115, %sub3A_170 : vector<16xf32>
        %mul3A_172 = arith.mulf %sub3A_171, %add3A_123 : vector<16xf32>
        %mul3A_173 = arith.constant 1.000000e-01 : f32
        %mul3A_174 = vector.broadcast %mul3A_173 : f32 to vector<16xf32>
        %mul3A_175 = arith.mulf %mul3A_174, %mul3A_172 : vector<16xf32>
        %add3A_176 = arith.addf %mul3A_168, %mul3A_175 : vector<16xf32>
        %mul3A_177 = arith.mulf %add3A_176, %div3A_148 : vector<16xf32>
        %mul3A_178 = arith.mulf %get3A_107, %exp3A_112 : vector<16xf32>
        %mul3A_179 = arith.mulf %mul3A_178, %add3A_138 : vector<16xf32>
        %sub3A_180 = arith.constant 1.000000e+00 : f32
        %sub3A_181 = vector.broadcast %sub3A_180 : f32 to vector<16xf32>
        %sub3A_182 = arith.subf %mul3A_116, %sub3A_181 : vector<16xf32>
        %mul3A_183 = arith.mulf %sub3A_182, %add3A_126 : vector<16xf32>
        %mul3A_184 = arith.constant 1.000000e-01 : f32
        %mul3A_185 = vector.broadcast %mul3A_184 : f32 to vector<16xf32>
        %mul3A_186 = arith.mulf %mul3A_185, %mul3A_183 : vector<16xf32>
        %add3A_187 = arith.addf %mul3A_179, %mul3A_186 : vector<16xf32>
        %mul3A_188 = arith.mulf %add3A_187, %div3A_152 : vector<16xf32>
        %mul3A_189 = arith.mulf %get3A_110, %exp3A_113 : vector<16xf32>
        %mul3A_190 = arith.mulf %mul3A_189, %add3A_141 : vector<16xf32>
        %sub3A_191 = arith.constant 1.000000e+00 : f32
        %sub3A_192 = vector.broadcast %sub3A_191 : f32 to vector<16xf32>
        %sub3A_193 = arith.subf %mul3A_117, %sub3A_192 : vector<16xf32>
        %mul3A_194 = arith.mulf %sub3A_193, %add3A_129 : vector<16xf32>
        %mul3A_195 = arith.constant 1.000000e-01 : f32
        %mul3A_196 = vector.broadcast %mul3A_195 : f32 to vector<16xf32>
        %mul3A_197 = arith.mulf %mul3A_196, %mul3A_194 : vector<16xf32>
        %add3A_198 = arith.addf %mul3A_190, %mul3A_197 : vector<16xf32>
        %mul3A_199 = arith.mulf %add3A_198, %div3A_156 : vector<16xf32>
        %swap3A = arith.index_cast %scan3A_98 : i32 to index
        %swap3A_200 = arith.constant 0 : index
        %swap3A_201 = tpu.vector_load %arg8[%swap3A, %swap3A_200] {strides = array<i32>} : memref<128x64xf32, #tpu.memory_space<vmem>>, vector<16xf32>,
        tpu.vector_store %arg8[%swap3A, %swap3A_200], %mul3A_166 {strides = array<i32>} : memref<128x64xf32, #tpu.memory_space<vmem>>, vector<16xf32>,
        %swap3A_202 = arith.index_cast %scan3A_98 : i32 to index
        %swap3A_203 = arith.constant 16 : index
        %swap3A_204 = tpu.vector_load %arg8[%swap3A_202, %swap3A_203] {strides = array<i32>} : memref<128x64xf32, #tpu.memory_space<vmem>>, vector<16xf32>,
        tpu.vector_store %arg8[%swap3A_202, %swap3A_203], %mul3A_177 {strides = array<i32>} : memref<128x64xf32, #tpu.memory_space<vmem>>, vector<16xf32>,
        %swap3A_205 = arith.index_cast %scan3A_98 : i32 to index
        %swap3A_206 = arith.constant 32 : index
        %swap3A_207 = tpu.vector_load %arg8[%swap3A_205, %swap3A_206] {strides = array<i32>} : memref<128x64xf32, #tpu.memory_space<vmem>>, vector<16xf32>,
        tpu.vector_store %arg8[%swap3A_205, %swap3A_206], %mul3A_188 {strides = array<i32>} : memref<128x64xf32, #tpu.memory_space<vmem>>, vector<16xf32>,
        %swap3A_208 = arith.index_cast %scan3A_98 : i32 to index
        %swap3A_209 = arith.constant 48 : index
        %swap3A_210 = tpu.vector_load %arg8[%swap3A_208, %swap3A_209] {strides = array<i32>} : memref<128x64xf32, #tpu.memory_space<vmem>>, vector<16xf32>,
        tpu.vector_store %arg8[%swap3A_208, %swap3A_209], %mul3A_199 {strides = array<i32>} : memref<128x64xf32, #tpu.memory_space<vmem>>, vector<16xf32>,
        %scan3A_211 = arith.constant 0 : i32
        scf.yield %scan3A_211 : i32
      }
      %scan3A_48 = arith.constant 128 : i32
      %mul3A_49 = arith.constant 128 : i32
      %mul3A_50 = arith.muli %add3A_34, %mul3A_49 : i32
      %add3A_51 = arith.addi %mul3A_2, %mul3A_50 : i32
      %dma_start3A_52 = arith.constant 0 : i32
      %dma_start3A_53 = tpu.memref_slice %arg4[%add3A_51, %dma_start3A_52] : memref<204800x64xf32, #tpu.memory_space<hbm>> -> memref<128x64xf32, #tpu.memory_space<hbm>>
      %dma_start3A_54 = arith.constant 0 : i32
      %dma_start3A_55 = tpu.memref_slice %arg4[%add3A_51, %dma_start3A_54] : memref<204800x64xf32, #tpu.memory_space<hbm>> -> memref<128x64xf32, #tpu.memory_space<hbm>>
      tpu.enqueue_dma source(%arg8 : memref<128x64xf32, #tpu.memory_space<vmem>>) target(%dma_start3A_55 : memref<128x64xf32, #tpu.memory_space<hbm>>) target_semaphore(%arg12 : memref<!tpu.dma_semaphore, #tpu.memory_space<semaphore_mem>>)
      %add3A_56 = arith.constant 2 : i32
      %add3A_57 = arith.addi %add3A_34, %add3A_56 : i32
      %lt3A = arith.constant 50 : i32
      %lt3A_58 = arith.cmpi slt, %add3A_57, %lt3A : i32
      %convert_element_type3A_59 = arith.extui %lt3A_58 : i1 to i32
      %cond3A_60 = arith.constant 0 : i32
      %cond3A_61 = arith.cmpi ne, %convert_element_type3A_59, %cond3A_60 : i32
      scf.if %cond3A_61 {
        %add3A_98 = arith.constant 2 : i32
        %add3A_99 = arith.addi %add3A_34, %add3A_98 : i32
        %mul3A_100 = arith.constant 128 : i32
        %mul3A_101 = arith.muli %add3A_99, %mul3A_100 : i32
        %dma_start3A_102 = tpu.memref_slice %arg5[%mul3A_101] : memref<6400xi32, #tpu.memory_space<vmem>> -> memref<128xi32, #tpu.memory_space<vmem>>
        %dma_start3A_103 = arith.constant 0 : i32
        %dma_start3A_104 = arith.constant 0 : i32
        %dma_start3A_105 = tpu.memref_slice %arg3[%dma_start3A_103, %dma_start3A_104] : memref<1000000x64xf32, #tpu.memory_space<hbm>> -> memref<1000000x64xf32, #tpu.memory_space<hbm>>
        tpu.enqueue_indirect_dma source(%dma_start3A_105 : memref<1000000x64xf32, #tpu.memory_space<hbm>>) target(%arg6 : memref<128x64xf32, #tpu.memory_space<vmem>>) offsets(%dma_start3A_102 : memref<128xi32, #tpu.memory_space<vmem>>) semaphore(%arg10 : memref<!tpu.dma_semaphore, #tpu.memory_space<semaphore_mem>>)
      } else {
      }
      %mul3A_62 = arith.constant 2 : i32
      %mul3A_63 = arith.muli %mul3A_62, %scan3A_29 : i32
      %add3A_64 = arith.constant 1 : i32
      %add3A_65 = arith.addi %mul3A_63, %add3A_64 : i32
      %dma_wait3A_66 = arith.constant 0 : i32
      %dma_wait3A_67 = tpu.memref_slice %arg5[%dma_wait3A_66] : memref<6400xi32, #tpu.memory_space<vmem>> -> memref<128xi32, #tpu.memory_space<vmem>>
      %dma_wait3A_68 = arith.constant 0 : i32
      %dma_wait3A_69 = arith.constant 0 : i32
      %dma_wait3A_70 = tpu.memref_slice %arg3[%dma_wait3A_68, %dma_wait3A_69] : memref<1000000x64xf32, #tpu.memory_space<hbm>> -> memref<1000000x64xf32, #tpu.memory_space<hbm>>
      tpu.wait_indirect_dma semaphore(%arg11 : memref<!tpu.dma_semaphore, #tpu.memory_space<semaphore_mem>>) src(%dma_wait3A_70 : memref<1000000x64xf32, #tpu.memory_space<hbm>>) dst(%arg7 : memref<128x64xf32, #tpu.memory_space<vmem>>)
      %ge3A_71 = arith.constant 2 : i32
      %ge3A_72 = arith.cmpi sge, %add3A_65, %ge3A_71 : i32
      %convert_element_type3A_73 = arith.extui %ge3A_72 : i1 to i32
      %cond3A_74 = arith.constant 0 : i32
      %cond3A_75 = arith.cmpi ne, %convert_element_type3A_73, %cond3A_74 : i32
      scf.if %cond3A_75 {
        %dma_wait3A_98 = arith.constant 0 : i32
        %dma_wait3A_99 = arith.constant 0 : i32
        %dma_wait3A_100 = tpu.memref_slice %arg4[%dma_wait3A_98, %dma_wait3A_99] : memref<204800x64xf32, #tpu.memory_space<hbm>> -> memref<128x64xf32, #tpu.memory_space<hbm>>
        %dma_wait3A_101 = arith.constant 0 : i32
        %dma_wait3A_102 = arith.constant 0 : i32
        %dma_wait3A_103 = tpu.memref_slice %arg4[%dma_wait3A_101, %dma_wait3A_102] : memref<204800x64xf32, #tpu.memory_space<hbm>> -> memref<128x64xf32, #tpu.memory_space<hbm>>
        tpu.wait_dma2 semaphore(%arg13 : memref<!tpu.dma_semaphore, #tpu.memory_space<semaphore_mem>>) src(%arg9 : memref<128x64xf32, #tpu.memory_space<vmem>>) dst(%dma_wait3A_103 : memref<128x64xf32, #tpu.memory_space<hbm>>)
      } else {
      }
      %scan3A_76 = arith.constant 0 : i32
      %scan3A_77 = arith.constant 0 : i32
      %scan3A_78 = arith.constant 128 : i32
      %scan3A_79 = arith.addi %scan3A_77, %scan3A_78 : i32
      %scan3A_80 = arith.constant 1 : i32
      %scan3A_81 = scf.for %scan3A_98 = %scan3A_77 to %scan3A_79 step %scan3A_80 iter_args(%scan3A_99 = %scan3A_76) -> (i32)  : i32 {
        %get3A = arith.index_cast %scan3A_98 : i32 to index
        %get3A_100 = arith.constant 0 : index
        %get3A_101 = tpu.vector_load %arg7[%get3A, %get3A_100] {strides = array<i32>} : memref<128x64xf32, #tpu.memory_space<vmem>>, vector<16xf32>,
        %get3A_102 = arith.index_cast %scan3A_98 : i32 to index
        %get3A_103 = arith.constant 16 : index
        %get3A_104 = tpu.vector_load %arg7[%get3A_102, %get3A_103] {strides = array<i32>} : memref<128x64xf32, #tpu.memory_space<vmem>>, vector<16xf32>,
        %get3A_105 = arith.index_cast %scan3A_98 : i32 to index
        %get3A_106 = arith.constant 32 : index
        %get3A_107 = tpu.vector_load %arg7[%get3A_105, %get3A_106] {strides = array<i32>} : memref<128x64xf32, #tpu.memory_space<vmem>>, vector<16xf32>,
        %get3A_108 = arith.index_cast %scan3A_98 : i32 to index
        %get3A_109 = arith.constant 48 : index
        %get3A_110 = tpu.vector_load %arg7[%get3A_108, %get3A_109] {strides = array<i32>} : memref<128x64xf32, #tpu.memory_space<vmem>>, vector<16xf32>,
        %exp3A = math.exp %get3A_101 : vector<16xf32>
        %exp3A_111 = math.exp %get3A_104 : vector<16xf32>
        %exp3A_112 = math.exp %get3A_107 : vector<16xf32>
        %exp3A_113 = math.exp %get3A_110 : vector<16xf32>
        %mul3A_114 = arith.mulf %exp3A, %exp3A : vector<16xf32>
        %mul3A_115 = arith.mulf %exp3A_111, %exp3A_111 : vector<16xf32>
        %mul3A_116 = arith.mulf %exp3A_112, %exp3A_112 : vector<16xf32>
        %mul3A_117 = arith.mulf %exp3A_113, %exp3A_113 : vector<16xf32>
        %add3A_118 = arith.constant 1.000000e+00 : f32
        %add3A_119 = vector.broadcast %add3A_118 : f32 to vector<16xf32>
        %add3A_120 = arith.addf %add3A_119, %exp3A : vector<16xf32>
        %add3A_121 = arith.constant 1.000000e+00 : f32
        %add3A_122 = vector.broadcast %add3A_121 : f32 to vector<16xf32>
        %add3A_123 = arith.addf %add3A_122, %exp3A_111 : vector<16xf32>
        %add3A_124 = arith.constant 1.000000e+00 : f32
        %add3A_125 = vector.broadcast %add3A_124 : f32 to vector<16xf32>
        %add3A_126 = arith.addf %add3A_125, %exp3A_112 : vector<16xf32>
        %add3A_127 = arith.constant 1.000000e+00 : f32
        %add3A_128 = vector.broadcast %add3A_127 : f32 to vector<16xf32>
        %add3A_129 = arith.addf %add3A_128, %exp3A_113 : vector<16xf32>
        %add3A_130 = arith.constant 1.000000e+00 : f32
        %add3A_131 = vector.broadcast %add3A_130 : f32 to vector<16xf32>
        %add3A_132 = arith.addf %add3A_131, %mul3A_114 : vector<16xf32>
        %add3A_133 = arith.constant 1.000000e+00 : f32
        %add3A_134 = vector.broadcast %add3A_133 : f32 to vector<16xf32>
        %add3A_135 = arith.addf %add3A_134, %mul3A_115 : vector<16xf32>
        %add3A_136 = arith.constant 1.000000e+00 : f32
        %add3A_137 = vector.broadcast %add3A_136 : f32 to vector<16xf32>
        %add3A_138 = arith.addf %add3A_137, %mul3A_116 : vector<16xf32>
        %add3A_139 = arith.constant 1.000000e+00 : f32
        %add3A_140 = vector.broadcast %add3A_139 : f32 to vector<16xf32>
        %add3A_141 = arith.addf %add3A_140, %mul3A_117 : vector<16xf32>
        %mul3A_142 = arith.mulf %add3A_120, %add3A_132 : vector<16xf32>
        %div3A = arith.constant 1.000000e+00 : f32
        %div3A_143 = vector.broadcast %div3A : f32 to vector<16xf32>
        %div3A_144 = arith.divf %div3A_143, %mul3A_142 : vector<16xf32>
        %mul3A_145 = arith.mulf %add3A_123, %add3A_135 : vector<16xf32>
        %div3A_146 = arith.constant 1.000000e+00 : f32
        %div3A_147 = vector.broadcast %div3A_146 : f32 to vector<16xf32>
        %div3A_148 = arith.divf %div3A_147, %mul3A_145 : vector<16xf32>
        %mul3A_149 = arith.mulf %add3A_126, %add3A_138 : vector<16xf32>
        %div3A_150 = arith.constant 1.000000e+00 : f32
        %div3A_151 = vector.broadcast %div3A_150 : f32 to vector<16xf32>
        %div3A_152 = arith.divf %div3A_151, %mul3A_149 : vector<16xf32>
        %mul3A_153 = arith.mulf %add3A_129, %add3A_141 : vector<16xf32>
        %div3A_154 = arith.constant 1.000000e+00 : f32
        %div3A_155 = vector.broadcast %div3A_154 : f32 to vector<16xf32>
        %div3A_156 = arith.divf %div3A_155, %mul3A_153 : vector<16xf32>
        %mul3A_157 = arith.mulf %get3A_101, %exp3A : vector<16xf32>
        %mul3A_158 = arith.mulf %mul3A_157, %add3A_132 : vector<16xf32>
        %sub3A = arith.constant 1.000000e+00 : f32
        %sub3A_159 = vector.broadcast %sub3A : f32 to vector<16xf32>
        %sub3A_160 = arith.subf %mul3A_114, %sub3A_159 : vector<16xf32>
        %mul3A_161 = arith.mulf %sub3A_160, %add3A_120 : vector<16xf32>
        %mul3A_162 = arith.constant 1.000000e-01 : f32
        %mul3A_163 = vector.broadcast %mul3A_162 : f32 to vector<16xf32>
        %mul3A_164 = arith.mulf %mul3A_163, %mul3A_161 : vector<16xf32>
        %add3A_165 = arith.addf %mul3A_158, %mul3A_164 : vector<16xf32>
        %mul3A_166 = arith.mulf %add3A_165, %div3A_144 : vector<16xf32>
        %mul3A_167 = arith.mulf %get3A_104, %exp3A_111 : vector<16xf32>
        %mul3A_168 = arith.mulf %mul3A_167, %add3A_135 : vector<16xf32>
        %sub3A_169 = arith.constant 1.000000e+00 : f32
        %sub3A_170 = vector.broadcast %sub3A_169 : f32 to vector<16xf32>
        %sub3A_171 = arith.subf %mul3A_115, %sub3A_170 : vector<16xf32>
        %mul3A_172 = arith.mulf %sub3A_171, %add3A_123 : vector<16xf32>
        %mul3A_173 = arith.constant 1.000000e-01 : f32
        %mul3A_174 = vector.broadcast %mul3A_173 : f32 to vector<16xf32>
        %mul3A_175 = arith.mulf %mul3A_174, %mul3A_172 : vector<16xf32>
        %add3A_176 = arith.addf %mul3A_168, %mul3A_175 : vector<16xf32>
        %mul3A_177 = arith.mulf %add3A_176, %div3A_148 : vector<16xf32>
        %mul3A_178 = arith.mulf %get3A_107, %exp3A_112 : vector<16xf32>
        %mul3A_179 = arith.mulf %mul3A_178, %add3A_138 : vector<16xf32>
        %sub3A_180 = arith.constant 1.000000e+00 : f32
        %sub3A_181 = vector.broadcast %sub3A_180 : f32 to vector<16xf32>
        %sub3A_182 = arith.subf %mul3A_116, %sub3A_181 : vector<16xf32>
        %mul3A_183 = arith.mulf %sub3A_182, %add3A_126 : vector<16xf32>
        %mul3A_184 = arith.constant 1.000000e-01 : f32
        %mul3A_185 = vector.broadcast %mul3A_184 : f32 to vector<16xf32>
        %mul3A_186 = arith.mulf %mul3A_185, %mul3A_183 : vector<16xf32>
        %add3A_187 = arith.addf %mul3A_179, %mul3A_186 : vector<16xf32>
        %mul3A_188 = arith.mulf %add3A_187, %div3A_152 : vector<16xf32>
        %mul3A_189 = arith.mulf %get3A_110, %exp3A_113 : vector<16xf32>
        %mul3A_190 = arith.mulf %mul3A_189, %add3A_141 : vector<16xf32>
        %sub3A_191 = arith.constant 1.000000e+00 : f32
        %sub3A_192 = vector.broadcast %sub3A_191 : f32 to vector<16xf32>
        %sub3A_193 = arith.subf %mul3A_117, %sub3A_192 : vector<16xf32>
        %mul3A_194 = arith.mulf %sub3A_193, %add3A_129 : vector<16xf32>
        %mul3A_195 = arith.constant 1.000000e-01 : f32
        %mul3A_196 = vector.broadcast %mul3A_195 : f32 to vector<16xf32>
        %mul3A_197 = arith.mulf %mul3A_196, %mul3A_194 : vector<16xf32>
        %add3A_198 = arith.addf %mul3A_190, %mul3A_197 : vector<16xf32>
        %mul3A_199 = arith.mulf %add3A_198, %div3A_156 : vector<16xf32>
        %swap3A = arith.index_cast %scan3A_98 : i32 to index
        %swap3A_200 = arith.constant 0 : index
        %swap3A_201 = tpu.vector_load %arg9[%swap3A, %swap3A_200] {strides = array<i32>} : memref<128x64xf32, #tpu.memory_space<vmem>>, vector<16xf32>,
        tpu.vector_store %arg9[%swap3A, %swap3A_200], %mul3A_166 {strides = array<i32>} : memref<128x64xf32, #tpu.memory_space<vmem>>, vector<16xf32>,
        %swap3A_202 = arith.index_cast %scan3A_98 : i32 to index
        %swap3A_203 = arith.constant 16 : index
        %swap3A_204 = tpu.vector_load %arg9[%swap3A_202, %swap3A_203] {strides = array<i32>} : memref<128x64xf32, #tpu.memory_space<vmem>>, vector<16xf32>,
        tpu.vector_store %arg9[%swap3A_202, %swap3A_203], %mul3A_177 {strides = array<i32>} : memref<128x64xf32, #tpu.memory_space<vmem>>, vector<16xf32>,
        %swap3A_205 = arith.index_cast %scan3A_98 : i32 to index
        %swap3A_206 = arith.constant 32 : index
        %swap3A_207 = tpu.vector_load %arg9[%swap3A_205, %swap3A_206] {strides = array<i32>} : memref<128x64xf32, #tpu.memory_space<vmem>>, vector<16xf32>,
        tpu.vector_store %arg9[%swap3A_205, %swap3A_206], %mul3A_188 {strides = array<i32>} : memref<128x64xf32, #tpu.memory_space<vmem>>, vector<16xf32>,
        %swap3A_208 = arith.index_cast %scan3A_98 : i32 to index
        %swap3A_209 = arith.constant 48 : index
        %swap3A_210 = tpu.vector_load %arg9[%swap3A_208, %swap3A_209] {strides = array<i32>} : memref<128x64xf32, #tpu.memory_space<vmem>>, vector<16xf32>,
        tpu.vector_store %arg9[%swap3A_208, %swap3A_209], %mul3A_199 {strides = array<i32>} : memref<128x64xf32, #tpu.memory_space<vmem>>, vector<16xf32>,
        %scan3A_211 = arith.constant 0 : i32
        scf.yield %scan3A_211 : i32
      }
      %scan3A_82 = arith.constant 128 : i32
      %mul3A_83 = arith.constant 128 : i32
      %mul3A_84 = arith.muli %add3A_65, %mul3A_83 : i32
      %add3A_85 = arith.addi %mul3A_2, %mul3A_84 : i32
      %dma_start3A_86 = arith.constant 0 : i32
      %dma_start3A_87 = tpu.memref_slice %arg4[%add3A_85, %dma_start3A_86] : memref<204800x64xf32, #tpu.memory_space<hbm>> -> memref<128x64xf32, #tpu.memory_space<hbm>>
      %dma_start3A_88 = arith.constant 0 : i32
      %dma_start3A_89 = tpu.memref_slice %arg4[%add3A_85, %dma_start3A_88] : memref<204800x64xf32, #tpu.memory_space<hbm>> -> memref<128x64xf32, #tpu.memory_space<hbm>>
      tpu.enqueue_dma source(%arg9 : memref<128x64xf32, #tpu.memory_space<vmem>>) target(%dma_start3A_89 : memref<128x64xf32, #tpu.memory_space<hbm>>) target_semaphore(%arg13 : memref<!tpu.dma_semaphore, #tpu.memory_space<semaphore_mem>>)
      %add3A_90 = arith.constant 2 : i32
      %add3A_91 = arith.addi %add3A_65, %add3A_90 : i32
      %lt3A_92 = arith.constant 50 : i32
      %lt3A_93 = arith.cmpi slt, %add3A_91, %lt3A_92 : i32
      %convert_element_type3A_94 = arith.extui %lt3A_93 : i1 to i32
      %cond3A_95 = arith.constant 0 : i32
      %cond3A_96 = arith.cmpi ne, %convert_element_type3A_94, %cond3A_95 : i32
      scf.if %cond3A_96 {
        %add3A_98 = arith.constant 2 : i32
        %add3A_99 = arith.addi %add3A_65, %add3A_98 : i32
        %mul3A_100 = arith.constant 128 : i32
        %mul3A_101 = arith.muli %add3A_99, %mul3A_100 : i32
        %dma_start3A_102 = tpu.memref_slice %arg5[%mul3A_101] : memref<6400xi32, #tpu.memory_space<vmem>> -> memref<128xi32, #tpu.memory_space<vmem>>
        %dma_start3A_103 = arith.constant 0 : i32
        %dma_start3A_104 = arith.constant 0 : i32
        %dma_start3A_105 = tpu.memref_slice %arg3[%dma_start3A_103, %dma_start3A_104] : memref<1000000x64xf32, #tpu.memory_space<hbm>> -> memref<1000000x64xf32, #tpu.memory_space<hbm>>
        tpu.enqueue_indirect_dma source(%dma_start3A_105 : memref<1000000x64xf32, #tpu.memory_space<hbm>>) target(%arg7 : memref<128x64xf32, #tpu.memory_space<vmem>>) offsets(%dma_start3A_102 : memref<128xi32, #tpu.memory_space<vmem>>) semaphore(%arg11 : memref<!tpu.dma_semaphore, #tpu.memory_space<semaphore_mem>>)
      } else {
      }
      %scan3A_97 = arith.constant 0 : i32
      scf.yield %scan3A_97 : i32
    }
    %scan3A_17 = arith.constant 25 : i32
    %dma_wait3A = arith.constant 0 : i32
    %dma_wait3A_18 = arith.constant 0 : i32
    %dma_wait3A_19 = tpu.memref_slice %arg4[%dma_wait3A, %dma_wait3A_18] : memref<204800x64xf32, #tpu.memory_space<hbm>> -> memref<128x64xf32, #tpu.memory_space<hbm>>
    %dma_wait3A_20 = arith.constant 0 : i32
    %dma_wait3A_21 = arith.constant 0 : i32
    %dma_wait3A_22 = tpu.memref_slice %arg4[%dma_wait3A_20, %dma_wait3A_21] : memref<204800x64xf32, #tpu.memory_space<hbm>> -> memref<128x64xf32, #tpu.memory_space<hbm>>
    tpu.wait_dma2 semaphore(%arg12 : memref<!tpu.dma_semaphore, #tpu.memory_space<semaphore_mem>>) src(%arg8 : memref<128x64xf32, #tpu.memory_space<vmem>>) dst(%dma_wait3A_22 : memref<128x64xf32, #tpu.memory_space<hbm>>)
    %dma_wait3A_23 = arith.constant 0 : i32
    %dma_wait3A_24 = arith.constant 0 : i32
    %dma_wait3A_25 = tpu.memref_slice %arg4[%dma_wait3A_23, %dma_wait3A_24] : memref<204800x64xf32, #tpu.memory_space<hbm>> -> memref<128x64xf32, #tpu.memory_space<hbm>>
    %dma_wait3A_26 = arith.constant 0 : i32
    %dma_wait3A_27 = arith.constant 0 : i32
    %dma_wait3A_28 = tpu.memref_slice %arg4[%dma_wait3A_26, %dma_wait3A_27] : memref<204800x64xf32, #tpu.memory_space<hbm>> -> memref<128x64xf32, #tpu.memory_space<hbm>>
    tpu.wait_dma2 semaphore(%arg13 : memref<!tpu.dma_semaphore, #tpu.memory_space<semaphore_mem>>) src(%arg9 : memref<128x64xf32, #tpu.memory_space<vmem>>) dst(%dma_wait3A_28 : memref<128x64xf32, #tpu.memory_space<hbm>>)
    return
  }
}

</mosaic_0001>

<sc_bundles>
// kernel: kernel.3.cloned.1.call-start
scs
__scs_entry_jumppad:
0x0: {  	(pc) =	sbr.rel $0x88, $3  }
0x1: {  	(tag) =	ssettag $0x0;
	lr =	simm.s32 $0x1  }
0x2: {  	[smem:$0x3F9F] =	sst lr;
	_ =	strace $0xD0000000  }
0x3: {  	_ = 	snop  }
0x4: {  	_ = 	snop  }
0x5: {  	_ = 	snop  }
0x6: {  	_ = 	snop  }
0x7: {  	_ = 	snop  }
__scs_overlays_trampoline_lowered:
0x8: {  	[smem:$0x3FAE] =	sst s0  }
0x9: {  	[smem:$0x3FAF] =	sst s1  }
0xa: {  	[smem:$0x3FB0] =	sst s2  }
0xb: {  	[smem:$0x3FB1] =	sst s3  }
0xc: {  	[smem:$0x3FB2] =	sst s4  }
0xd: {  	[smem:$0x3FB3] =	sst s5  }
0xe: {  	[smem:$0x3FB4] =	sst s6  }
0xf: {  	[smem:$0x3FB5] =	sst s7  }
0x10: {  	[smem:$0x3FB6] =	sst s8  }
0x11: {  	[smem:$0x3FB7] =	sst s9;
	s0 =	simm.s32 @!p0 $0x0  }
0x12: {  	s1 =	sld [smem:$0x3F9D];
	s0 =	simm.s32 @p0 $0x1  }
0x13: {  	[smem:$0x3FB8] =	sst s0;
	s0 =	simm.s32 @!p1 $0x0  }
0x14: {  	s2 =	sld [smem:$0x3F9C];
	s0 =	simm.s32 @p1 $0x1  }
0x15: {  	[smem:$0x3FB9] =	sst s0;
	s0 =	simm.s32 @!p2 $0x0  }
0x16: {  	s3 =	sld [smem:$0x3FDB];
	s0 =	simm.s32 @p2 $0x1  }
0x17: {  	s4 =	simm.s32 $0x1BF5;
	[smem:$0x3FBB] =	sst s0  }
0x18: {  	s0 =	sld [smem:$0x3F9E];
	_ =	swait.ge [sflag:s4], $0x0  }
0x19: {  	s7 =	sld [smem:$0x3F9F]  }
0x1a: {  	s8 =	sadd.s32 $0xFFFFE003, lr  }
0x1b: {  	s9 =	sadd.s32 $0xFFFFFEF7, lr;
	s5 =	simm.s32 $0xFFFFFFFF;
	p2 =	slt.u32 s8, $0xFFFFF086  }
0x1c: {  	p1 =	slt.u32 s9, $0xF7A;
	s5 =	simm.s32 @!p2 $0x0  }
0x1d: {  	s5 =	simm.s32 @p1 $0x1;
	p0 =	seq.s32 s7, s2  }
0x1e: {  	s7 =	smul.u32 @!p0 $0xF7A, s2;
	p2 =	seq.s32 @!p0 s5, $0x0  }
0x1f: {  	s9 =	smul.u32 $0xF7A, s1;
	s8 =	simm.s32 @!p0 $0x1BF5;
	p2 =	por !p2, p0  }
0x20: {  	[sflag:s8] =	ssyncset.s32 @!p0 $0xFFFFF086;
	s6 =	sadd.s32 @!p0 s3, s7;
	s7 =	simm.s32 @!p0 $0x108  }
0x21: {  	s3 =	sadd.s32 s3, s9;
	s6 =	sadd.s32 @!p0 $0x88, s6;
	s7 =	simm.s32 @p2 $0x1082  }
0x22: {  	[simem:s7], [sflag:s8] =	dma.local @!p0 [hbm:s6], $0xF7A  }
0x23: {  	s9 =	sor.u32 $0xD0000000, s2;
	s6 =	simm.s32 $0x108;
	_ =	swait.ge @!p0 [sflag:s8], $0x0  }
0x24: {  	s3 =	sadd.s32 $0x88, s3;
	s6 =	simm.s32 @!p1 $0x1082;
	[sflag:s4] =	ssyncset.s32 $0xFFFFF086  }
0x25: {  	[simem:s6], [sflag:s4] =	dma.local [hbm:s3], $0xF7A  }
0x26: {  	[smem:$0x3F9F] =	sst s1;
	(tag) =	ssettag s2;
	_ =	strace s9  }
0x27: {  	s1 =	sld [smem:$0x3FAF]  }
0x28: {  	s2 =	sld [smem:$0x3FB0]  }
0x29: {  	s4 =	sld [smem:$0x3FB2]  }
0x2a: {  	p0 =	seq.s32 s5, $0x0;
	s5 =	sld [smem:$0x3FB3]  }
0x2b: {  	s6 =	sld [smem:$0x3FB4]  }
0x2c: {  	s7 =	sld [smem:$0x3FB5]  }
0x2d: {  	s3 =	simm.s32 $0x108;
	s8 =	sld [smem:$0x3FB6]  }
0x2e: {  	s3 =	simm.s32 @!p0 $0x1082;
	s9 =	sld [smem:$0x3FB7]  }
0x2f: {  	lr =	sadd.s32 s0, s3;
	s0 =	sld [smem:$0x3FAE]  }
0x30: {  	s3 =	sld [smem:$0x3FB1]  }
0x31: {  	[smem:$0x3FBA] =	sst s10  }
0x32: {  	s10 =	sld [smem:$0x3FB8];
	_ =	sdelay $0x3  }
0x33: {  	p0 =	seq.s32 s10, $0x1;
	s10 =	sld [smem:$0x3FBA];
	_ =	sdelay $0x3  }
0x34: {  	[smem:$0x3FBA] =	sst s10  }
0x35: {  	s10 =	sld [smem:$0x3FB9];
	_ =	sdelay $0x3  }
0x36: {  	p1 =	seq.s32 s10, $0x1;
	s10 =	sld [smem:$0x3FBA];
	_ =	sdelay $0x3  }
0x37: {  	[smem:$0x3FBA] =	sst s10  }
0x38: {  	s10 =	sld [smem:$0x3FBB]  }
0x39: {  	_ = 	snop;
	(pc) =	sbr.ind lr, $3  }
0x3a: {  	_ = 	snop  }
0x3b: {  	_ = 	snop  }
0x3c: {  	p2 =	seq.s32 s10, $0x1;
	s10 =	sld [smem:$0x3FBA]  }
0x3d: {  	_ =	shalt  }
0x3e: {  	_ =	shalt  }
0x3f: {  	_ =	shalt  }
0x40: {  	_ =	shalt  }
0x41: {  	_ =	shalt  }
0x42: {  	_ =	shalt  }
0x43: {  	_ =	shalt  }
0x44: {  	_ =	shalt  }
0x45: {  	_ =	shalt  }
0x46: {  	_ =	shalt  }
0x47: {  	_ =	shalt  }
0x48: {  	_ =	shalt  }
0x49: {  	_ =	shalt  }
0x4a: {  	_ =	shalt  }
0x4b: {  	_ =	shalt  }
0x4c: {  	_ =	shalt  }
0x4d: {  	_ =	shalt  }
0x4e: {  	_ =	shalt  }
0x4f: {  	_ =	shalt  }
0x50: {  	_ =	shalt  }
0x51: {  	_ =	shalt  }
0x52: {  	_ =	shalt  }
0x53: {  	_ =	shalt  }
0x54: {  	_ =	shalt  }
0x55: {  	_ =	shalt  }
0x56: {  	_ =	shalt  }
0x57: {  	_ =	shalt  }
0x58: {  	_ =	shalt  }
0x59: {  	_ =	shalt  }
0x5a: {  	_ =	shalt  }
0x5b: {  	_ =	shalt  }
0x5c: {  	_ =	shalt  }
0x5d: {  	_ =	shalt  }
0x5e: {  	_ =	shalt  }
0x5f: {  	_ =	shalt  }
0x60: {  	_ =	shalt  }
0x61: {  	_ =	shalt  }
0x62: {  	_ =	shalt  }
0x63: {  	_ =	shalt  }
0x64: {  	_ =	shalt  }
0x65: {  	_ =	shalt  }
0x66: {  	_ =	shalt  }
0x67: {  	_ =	shalt  }
0x68: {  	_ =	shalt  }
0x69: {  	_ =	shalt  }
0x6a: {  	_ =	shalt  }
0x6b: {  	_ =	shalt  }
0x6c: {  	_ =	shalt  }
0x6d: {  	_ =	shalt  }
0x6e: {  	_ =	shalt  }
0x6f: {  	_ =	shalt  }
0x70: {  	_ =	shalt  }
0x71: {  	_ =	shalt  }
0x72: {  	_ =	shalt  }
0x73: {  	_ =	shalt  }
0x74: {  	_ =	shalt  }
0x75: {  	_ =	shalt  }
0x76: {  	_ =	shalt  }
0x77: {  	_ =	shalt  }
0x78: {  	_ =	shalt  }
0x79: {  	_ =	shalt  }
0x7a: {  	_ =	shalt  }
0x7b: {  	_ =	shalt  }
0x7c: {  	_ =	shalt  }
0x7d: {  	_ =	shalt  }
0x7e: {  	_ =	shalt  }
0x7f: {  	_ =	shalt  }
0x80: {  	_ =	shalt  }
0x81: {  	_ =	shalt  }
0x82: {  	_ =	shalt  }
0x83: {  	_ =	shalt  }
0x84: {  	_ =	shalt  }
0x85: {  	_ =	shalt  }
0x86: {  	_ =	shalt  }
0x87: {  	_ =	shalt  }
.Lfunc_end0:
.L_simem_size_0:
called_computation.1_lowered:
.L_overlay_start_0:
0x88: {  	s2 =	sld [smem:$0x3FD9]  }
0x89: {  	s3 =	sld [smem:$0x3FFE];
	_ =	sdelay $0x1  }
0x8a: {  	s1 =	srdreg.scid  }
0x8b: {  	s0 =	sand.u32 $0x1, s1  }
0x8c: {  	s17 =	sshll.u32 s0, $0xA;
	s2 =	sadd.s32 s3, s2  }
0x8d: {  	s2 =	sadd.s32 s2, s17  }
0x8e: {  	[smem:$0x3FC6] =	sst s2  }
0x8f: {  	_ = 	snop  }
0x90: {  	s2 =	sld [smem:$0x3FD0];
	(tm) =	ssettm $0x1  }
0x91: {  	s18 =	sld [smem:$0x3FFB];
	_ =	sdelay $0x3  }
0x92: {  	_ =	strace s18  }
0x93: {  	s3 =	sld [smem:$0x3FFC];
	_ =	sdelay $0x3  }
0x94: {  	_ =	strace s3  }
0x95: {  	s3 =	sld [smem:$0x3FFD];
	_ =	sdelay $0x3  }
0x96: {  	_ =	strace s3  }
0x97: {  	_ =	strace $0x8FFFFFFF  }
0x98: {  	s19 =	sld [smem:$0x3FDB];
	_ =	sdelay $0x1  }
0x99: {  	s4 =	simm.s32 $_scs_section_size  }
0x9a: {  	s5 =	simm.s32 $_size__tile_overlayer_lowered;
	s6 =	simm.s32 $_tile_overlayer_lowered  }
0x9b: {  	s22 =	simm.s32 $0x1BFF;
	s21 =	sshll.u32 s6, $0x1;
	s3 =	sadd.s32 s4, s19  }
0x9c: {  	s7 =	simm.s32 $0x0;
	s20 =	sshll.u32 s5, $0x1;
	s5 =	sadd.s32 s21, s3  }
0x9d: {  	[timem:s7], [sflag:s22] =	dma.local [hbm:s5], s20  }
0x9e: {  	_ =	swait.ge [sflag:s22], s20  }
0x9f: {  	s4 =	ssub.s32 $0x0, s20;
	[sflag:s22] =	ssyncset.done $0x0  }
0xa0: {  	[sflag:s22] =	ssyncadd.s32 s4;
	_ =	sdelay $0x1  }
0xa1: {  	s23 =	simm.s32 $0x1B8B  }
0xa2: {  	_ =	swait.ge [sflag:s23], $0x1  }
0xa3: {  	[sflag:s23] =	ssyncset.done $0x0  }
0xa4: {  	s25 =	simm.s32 $0x1B8E;
	s24 =	sld [smem:$0x3FFE];
	[sflag:s23] =	ssyncadd.s32 $0xFFFFFFFF  }
0xa5: {  	s26 =	simm.s32 $execute0_lowered;
	[smem:$0x3FD2] =	sst s25  }
0xa6: {  	s5 =	sshll.u32 s26, $0x1;
	_ =	strace $0x80000046;
	[dreg:$0x1] =	wrdreg $0xFFFFFFFF  }
0xa7: {  	s28 =	simm.s32 $_size_execute0_lowered;
	s3 =	sadd.s32 s3, s5;
	[dreg:$0x0] =	wrdreg $0x0  }
0xa8: {  	s5 =	sshll.u32 s28, $0x1;
	[dreg:$0x2] =	wrdreg s3  }
0xa9: {  	[dreg:$0x3] =	wrdreg s5  }
0xaa: {  	[dreg:$0x4] =	wrdreg $0xC0  }
0xab: {  	_ =	task [dreg:s7], $0x5FFFF  }
0xac: {  	[dreg:$0x1] =	wrdreg $0xFFFFFFFF  }
0xad: {  	[dreg:$0x0] =	wrdreg $0x60  }
0xae: {  	[dreg:$0x2] =	wrdreg s24  }
0xaf: {  	[dreg:$0x3] =	wrdreg s2  }
0xb0: {  	[dreg:$0x4] =	wrdreg $0x9  }
0xb1: {  	_ =	task.clear_ibuf [dreg:s7], $0x5FFFF;
	_ =	strace $0x90000046  }
0xb2: {  	s29 =	simm.s32 $0x9;
	_ =	strace $0x80000048  }
0xb3: {  	_ =	swait.ge [sflag:s29], $0x1  }
0xb4: {  	[sflag:s29] =	ssyncadd.s32 $0xFFFFFFFF  }
0xb5: {  	_ =	strace $0x90000048  }
0xb6: {  	_ =	sfence  }
0xb7: {  	s30 =	sld [smem:$0x0];
	_ =	sdelay $0x2  }
0xb8: {  	s31 =	sshll.u32 s1, $0xD;
	s1 =	sshrl.u32 s1, $0x2  }
0xb9: {  	s3 =	sand.u32 $0x4000, s31;
	s1 =	sadd.s32 s1, s30  }
0xba: {  	s0 =	sor.u32 s3, s0;
	s1 =	sshll.u32 s1, $0x11  }
0xbb: {  	s0 =	sor.u32 s1, s0  }
0xbc: {  	s0 =	sadd.s32 $0x8F2B, s0  }
0xbd: {  	[sflag:s0] =	ssyncadd.remote.s32 $0x1  }
0xbe: {  	_ =	sfence.sel $0xFFFF  }
0xbf: {  	[dreg:$0x0] =	wrdreg $0xFFFFFFFF;
	(pc) =	sbr.abs _section_cstart, $3  }
0xc0: {  	[dreg:$0x1] =	wrdreg $0xFFFFFFFF  }
0xc1: {  	_ =	task.clear_ibuf [dreg:s7], $0x2FFFF;
	_ =	strace $0x9FFFFFFF  }
0xc2: {  	(tm) =	ssettm $0x7FFFFFFF  }
0xc3: {  	_ =	shalt  }
tec
execute0_lowered:
.L_overlay_start_1:
0x0: {  	(tag) =	ssettag $0x1  }
0x1: {  	s4 =	rddreg [dreg:$0x0];
	s1 =	srdreg.scid  }
0x2: {  	s0 =	stileid.u32;
	s2 =	rddreg [dreg:$0x1];
	s3 =	simm.s32 $0x0  }
0x3: {  	s10 =	simm.s32 $0x80;
	s11 =	simm.s32 $0x1900;
	s12 =	simm.s32 $0x3900  }
0x4: {  	s13 =	simm.s32 $0x1;
	s14 =	simm.s32 $0x5900;
	s15 =	simm.s32 $0x2  }
0x5: {  	s16 =	simm.s32 $0x4;
	s5 =	sand.u32 $0x1, s1;
	s6 =	sshll.u32 s0, $0x1  }
0x6: {  	s17 =	simm.s32 $0x7900;
	s18 =	simm.s32 $0x3;
	s6 =	sor.u32 s5, s6  }
0x7: {  	s19 =	simm.s32 $0x0;
	s1 =	rddreg [dreg:$0x2];
	s7 =	smul.u32 $0x320, s6  }
.Ltmp0:
0x8: {  	[smem:$0x7FF] =	sst s3;
	s5 =	ssub.s32 $0x2, s5;
	(pc) =	sbr.rel .LBB2_1-.Ltmp0, $4  }
0x9: {  	_ =	strace $0x80000047;
	s8 =	sshrl.u32 s5, $0x1;
	s9 =	smul.u32 $0xC800, s6  }
0xa: {  	s6 =	smul.u32 $0x64000, s6;
	s8 =	ssub.s32 s5, s8;
	s7 =	sadd.s32 s7, s4  }
0xb: {  	s4 =	sadd.s32 $0xF42E00, s4;
	s31 =	sadd.s32 s9, s2;
	s9 =	simm.s32 $0x5  }
0xc: {  	s5 =	sadd.s32 $0xA00, s7;
	s7 =	smax.u32 s8, $0x1;
	s8 =	sadd.s32 $0x400, s31  }
.LBB2_12:
0xd: {  	s19 =	sadd.s32 $0x1, s19  }
0xe: {  	_ =	swait.ge [sflag:s18], $0x2000;
	p0 =	sne.s32 s19, s7  }
.Ltmp1:
0xf: {  	[sflag:s18] =	ssyncset.done $0x0;
	(pc) =	sbr.rel @!p0 .LBB2_13-.Ltmp1, $4  }
0x10: {  	[sflag:s18] =	ssyncadd.s32 $0xFFFFE000  }
0x11: {  	_ =	swait.ge [sflag:s16], $0x2000  }
0x12: {  	[sflag:s16] =	ssyncset.done $0x0  }
0x13: {  	[sflag:s16] =	ssyncadd.s32 $0xFFFFE000  }
.LBB2_1:
0x14: {  	[tilespmem:s3], [sflag:$0x5] =	stream.linear.gather [hbm4b:s5+s3], $0x1900, $0x38;
	[tilespmem:$0x9900] =	vst v63  }
0x15: {  	_ =	swait.ge [sflag:s9], $0x1900  }
0x16: {  	[sflag:s9] =	ssyncset.done $0x0  }
0x17: {  	[sflag:s9] =	ssyncadd.s32 $0xFFFFE700  }
0x18: {  	[tilespmem:s11], [sflag:$0x1] =	stream.indirect.gather [hbm4b:s4+s10], $0x40, s3, s10, $0xb8;
	[tilespmem:$0x9900] =	vst v63  }
0x19: {  	s20 =	simm.s32 $0x0  }
0x1a: {  	[tilespmem:s12], [sflag:$0x2] =	stream.indirect.gather [hbm4b:s4+s10], $0x40, s10, s10, $0xb8;
	[tilespmem:$0x9900] =	vst v63  }
.LBB2_2:
0x1b: {  	_ =	swait.ge [sflag:s13], $0x2000  }
0x1c: {  	p0 =	seq.s32 s20, $0x0;
	[sflag:s13] =	ssyncset.done $0x0  }
0x1d: {  	s21 =	simm.s32 @!p0 $0x3;
	[sflag:s13] =	ssyncadd.s32 $0xFFFFE000  }
0x1e: {  	_ =	swait.ge @!p0 [sflag:s21], $0x2000  }
0x1f: {  	[sflag:s21] =	ssyncset.done @!p0 $0x0  }
0x20: {  	s22 =	simm.s32 $0x0;
	[sflag:s21] =	ssyncadd.s32 @!p0 $0xFFFFE000  }
0x21: {  	v0 =	vld [tilespmem:s22+$0x1920]  }
0x22: {  	v1 =	vld [tilespmem:s22+$0x1930]  }
0x23: {  	v4 =	vld [tilespmem:s22+$0x1910];
	_ =	sdelay $0x1  }
0x24: {  	v5 =	vld [tilespmem:s22+$0x1900]  }
0x25: {  	v2 =	vmul.f32 $1.442695020e+00, v0  }
0x26: {  	v3 =	vmul.f32 $1.442695020e+00, v1  }
0x27: {  	v6 =	vmul.f32 $1.442695020e+00, v4;
	(erf) = vpow2.f32 v2  }
0x28: {  	(erf) = vpow2.f32 v3  }
0x29: {  	v2 =	vmul.f32 $1.442695020e+00, v5;
	(erf) = vpow2.f32 v6  }
0x2a: {  	s23 =	simm.s32 $0x40  }
0x2b: {  	(erf) = vpow2.f32 v2;
	v2 =	vld [tilespmem:s23+$0x1920];
	_ =	sdelay $0x4  }
0x2c: {  	v18 =	vmul.f32 $1.442695020e+00, v2;
	v6 =	vpop (erf)  }
0x2d: {  	v3 =	vld [tilespmem:s23+$0x1930];
	v7 =	vpop (erf);
	v8 =	vmul.f32 v6, v0;
	v13 =	vmul.f32 v6, v6  }
0x2e: {  	v0 =	vld [tilespmem:s23+$0x1900];
	v15 =	vadd.f32 $1.000000000e+00, v6;
	(erf) = vpow2.f32 v18;
	v9 =	vmul.f32 v7, v1;
	v10 =	vpop (erf)  }
0x2f: {  	v11 =	vmul.f32 v7, v7;
	v12 =	vadd.f32 $1.000000000e+00, v7;
	v7 =	vmul.f32 v10, v10  }
0x30: {  	v14 =	vadd.f32 $1.000000000e+00, v10;
	v6 =	vpop (erf);
	v4 =	vmul.f32 v10, v4;
	v17 =	vadd.f32 $1.000000000e+00, v13  }
0x31: {  	v1 =	vld [tilespmem:s23+$0x1910];
	v10 =	vmul.f32 v6, v6;
	v19 =	vmul.f32 v6, v5;
	v5 =	vadd.f32 $1.000000000e+00, v6  }
0x32: {  	v6 =	vmul.f32 $1.442695020e+00, v3;
	v63 =	vadd.f32 $1.000000000e+00, v11;
	v16 =	vadd.f32 $1.000000000e+00, v7  }
0x33: {  	v23 =	vmul.f32 v17, v15;
	v21 =	vadd.f32 $1.000000000e+00, v10;
	v22 =	vmul.f32 $1.442695020e+00, v0  }
0x34: {  	(erf) = vpow2.f32 v6;
	v20 =	vmul.f32 v16, v14  }
0x35: {  	v10 =	vadd.f32 $-1.000000000e+00, v10;
	v25 =	vmul.f32 v63, v12;
	v6 =	vmul.f32 v21, v5  }
0x36: {  	v24 =	vmul.f32 $1.442695020e+00, v1;
	(erf) = vrcp.f32 v20  }
0x37: {  	v10 =	vmul.f32 v10, v5;
	(erf) = vrcp.f32 v6  }
0x38: {  	v5 =	vmul.f32 v63, v9;
	v6 =	vadd.f32 $-1.000000000e+00, v7;
	(erf) = vrcp.f32 v25  }
0x39: {  	v7 =	vmul.f32 $1.000000010e-01, v10;
	(erf) = vpow2.f32 v24  }
0x3a: {  	v9 =	vadd.f32 $-1.000000000e+00, v11;
	v6 =	vmul.f32 v6, v14;
	(erf) = vrcp.f32 v23  }
0x3b: {  	v10 =	vadd.f32 $-1.000000000e+00, v13;
	v13 =	vmul.f32 v16, v4;
	(erf) = vpow2.f32 v22  }
0x3c: {  	v12 =	vmul.f32 v9, v12;
	v14 =	vmul.f32 $1.000000010e-01, v6  }
0x3d: {  	v4 =	vpop (erf);
	v11 =	vmul.f32 v10, v15;
	v10 =	vmul.f32 v21, v19  }
0x3e: {  	s24 =	simm.s32 $0x200;
	s21 =	sshll.u32 s20, $0xA;
	v12 =	vmul.f32 $1.000000010e-01, v12;
	v6 =	vmul.f32 v17, v8;
	v8 =	vpop (erf);
	v9 =	vadd.f32 v14, v13  }
.LBB2_3:
0x3f: {  	s25 =	sshra.s32 s24, $0x2;
	p1 =	sne.s32 s24, $0x7F00;
	s24 =	sadd.s32 $0x100, s24;
	v13 =	vmul.f32 v4, v2;
	v16 =	vmul.f32 $1.000000010e-01, v11;
	v14 =	vpop (erf)  }
0x40: {  	v15 =	vmul.f32 v8, v3;
	v2 =	vld [tilespmem:s25+$0x1920];
	v7 =	vadd.f32 v7, v10;
	v5 =	vadd.f32 v12, v5;
	v10 =	vpop (erf)  }
0x41: {  	v12 =	vmul.f32 v8, v8;
	v20 =	vmul.f32 v9, v14;
	v3 =	vld [tilespmem:s25+$0x1930];
	v6 =	vadd.f32 v16, v6;
	v11 =	vpop (erf)  }
0x42: {  	v8 =	vadd.f32 $1.000000000e+00, v8;
	v16 =	vmul.f32 v4, v4;
	v14 =	vld [tilespmem:s25+$0x1910];
	v17 =	vpop (erf);
	v5 =	vmul.f32 v5, v11  }
0x43: {  	v7 =	vmul.f32 v7, v10;
	v11 =	vld [tilespmem:s25+$0x1900];
	v18 =	vmul.f32 v17, v17;
	v19 =	vadd.f32 $1.000000000e+00, v17;
	[tilespmem:s22+$0x5910] =	vst v20;
	v9 =	vpop (erf)  }
0x44: {  	v10 =	vadd.f32 $1.000000000e+00, v4;
	v20 =	vadd.f32 $1.000000000e+00, v16;
	v4 =	vmul.f32 v17, v1;
	v1 =	vpop (erf);
	[tilespmem:s22+$0x5930] =	vst v5  }
0x45: {  	v6 =	vmul.f32 v6, v9;
	v5 =	vmul.f32 v1, v1;
	v17 =	vadd.f32 $1.000000000e+00, v18;
	[tilespmem:s22+$0x5900] =	vst v7  }
0x46: {  	v7 =	vmul.f32 $1.442695020e+00, v2;
	v9 =	vadd.f32 $1.000000000e+00, v1;
	v21 =	vmul.f32 v1, v0  }
0x47: {  	v22 =	vmul.f32 $1.442695020e+00, v3;
	v23 =	vadd.f32 $1.000000000e+00, v5;
	v24 =	vmul.f32 v17, v19;
	[tilespmem:s22+$0x5920] =	vst v6;
	v1 =	vmovc v14;
	s22 =	smov.u32 s23;
	s23 =	smov.u32 s25  }
0x48: {  	v14 =	vmul.f32 v20, v10;
	v5 =	vadd.f32 $-1.000000000e+00, v5;
	v6 =	vmul.f32 $1.442695020e+00, v11;
	v0 =	vmovc v11  }
0x49: {  	v11 =	vmul.f32 $1.442695020e+00, v1;
	(erf) = vpow2.f32 v7;
	v7 =	vadd.f32 $1.000000000e+00, v12  }
0x4a: {  	v18 =	vadd.f32 $-1.000000000e+00, v18;
	(erf) = vpow2.f32 v22;
	v22 =	vmul.f32 v23, v9  }
0x4b: {  	v16 =	vadd.f32 $-1.000000000e+00, v16;
	v25 =	vmul.f32 v7, v8;
	(erf) = vrcp.f32 v24  }
0x4c: {  	v12 =	vadd.f32 $-1.000000000e+00, v12;
	v9 =	vmul.f32 v5, v9;
	(erf) = vrcp.f32 v22  }
0x4d: {  	v5 =	vmul.f32 v7, v15;
	(erf) = vrcp.f32 v25  }
0x4e: {  	v7 =	vmul.f32 $1.000000010e-01, v9;
	(erf) = vpow2.f32 v11  }
.Ltmp2:
0x4f: {  	v9 =	vmul.f32 v18, v19;
	(erf) = vrcp.f32 v14;
	(pc) =	sbr.rel @p1 .LBB2_3-.Ltmp2, $4  }
0x50: {  	v14 =	vmul.f32 v17, v4;
	(erf) = vpow2.f32 v6  }
0x51: {  	v12 =	vmul.f32 v12, v8;
	v9 =	vmul.f32 $1.000000010e-01, v9  }
0x52: {  	v11 =	vmul.f32 v16, v10;
	v6 =	vmul.f32 v20, v13;
	v4 =	vpop (erf)  }
0x53: {  	v12 =	vmul.f32 $1.000000010e-01, v12;
	v10 =	vmul.f32 v23, v21;
	v9 =	vadd.f32 v9, v14;
	v8 =	vpop (erf)  }
0x54: {  	v13 =	vpop (erf)  }
0x55: {  	v14 =	vpop (erf)  }
0x56: {  	v15 =	vpop (erf)  }
0x57: {  	v2 =	vmul.f32 v4, v2;
	v11 =	vmul.f32 $1.000000010e-01, v11;
	v16 =	vpop (erf)  }
0x58: {  	v3 =	vmul.f32 v8, v3;
	v18 =	vmul.f32 v8, v8;
	v48 =	vadd.f32 $1.000000000e+00, v8;
	v17 =	vpop (erf)  }
0x59: {  	v21 =	vmul.f32 v4, v4;
	v7 =	vadd.f32 v7, v10;
	v46 =	vmul.f32 v16, v16;
	v47 =	vpop (erf)  }
0x5a: {  	v5 =	vadd.f32 v12, v5;
	v24 =	vadd.f32 $1.000000000e+00, v18;
	v19 =	vmul.f32 v47, v47  }
0x5b: {  	v9 =	vmul.f32 v9, v13;
	v49 =	vadd.f32 $1.000000000e+00, v16;
	v20 =	vadd.f32 $1.000000000e+00, v46  }
0x5c: {  	v5 =	vmul.f32 v5, v15;
	v22 =	vadd.f32 $1.000000000e+00, v47;
	v23 =	vadd.f32 $1.000000000e+00, v19  }
0x5d: {  	v51 =	vadd.f32 $1.000000000e+00, v4;
	v7 =	vmul.f32 v7, v14;
	v50 =	vmul.f32 v20, v49  }
0x5e: {  	v25 =	vadd.f32 $1.000000000e+00, v21;
	v53 =	vmul.f32 v24, v48;
	v52 =	vmul.f32 v23, v22  }
0x5f: {  	v56 =	vadd.f32 $-1.000000000e+00, v18;
	v1 =	vmul.f32 v16, v1;
	(erf) = vrcp.f32 v50  }
0x60: {  	v58 =	vadd.f32 $-1.000000000e+00, v21;
	v54 =	vmul.f32 v25, v51;
	(erf) = vrcp.f32 v52  }
0x61: {  	v3 =	vmul.f32 v24, v3;
	v10 =	vadd.f32 $-1.000000000e+00, v46;
	(erf) = vrcp.f32 v53  }
0x62: {  	v8 =	vmul.f32 v56, v48;
	v55 =	vadd.f32 $-1.000000000e+00, v19;
	(erf) = vrcp.f32 v54  }
0x63: {  	v4 =	vmul.f32 v58, v51;
	v10 =	vmul.f32 v10, v49  }
0x64: {  	v0 =	vmul.f32 v47, v0;
	v57 =	vmul.f32 v55, v22  }
0x65: {  	v1 =	vmul.f32 v20, v1;
	v10 =	vmul.f32 $1.000000010e-01, v10  }
0x66: {  	v6 =	vadd.f32 v11, v6;
	v0 =	vmul.f32 v23, v0;
	v59 =	vmul.f32 $1.000000010e-01, v57  }
0x67: {  	[tilespmem:s22+$0x5910] =	vst v9;
	v2 =	vmul.f32 v25, v2;
	v8 =	vmul.f32 $1.000000010e-01, v8;
	v1 =	vadd.f32 v10, v1  }
0x68: {  	v6 =	vmul.f32 v6, v17;
	[tilespmem:s22+$0x5930] =	vst v5;
	v4 =	vmul.f32 $1.000000010e-01, v4;
	v0 =	vadd.f32 v59, v0;
	v60 =	vpop (erf)  }
0x69: {  	[tilespmem:s22+$0x5900] =	vst v7;
	v3 =	vadd.f32 v8, v3;
	v1 =	vmul.f32 v1, v60;
	v61 =	vpop (erf)  }
0x6a: {  	p1 =	sne.s32 s20, $0x18;
	[tilespmem:s22+$0x5920] =	vst v6;
	v2 =	vadd.f32 v4, v2;
	v62 =	vpop (erf);
	v0 =	vmul.f32 v0, v61  }
.Ltmp3:
0x6b: {  	s31 =	sshll.u32 s20, $0xE;
	[tilespmem:s23+$0x5910] =	vst v1;
	v3 =	vmul.f32 v3, v62;
	v63 =	vpop (erf);
	(pc) =	sbr.rel @p1 .LBB2_6-.Ltmp3, $4  }
0x6c: {  	s22 =	sadd.s32 s6, s31;
	v1 =	vmul.f32 v2, v63;
	[tilespmem:s23+$0x5900] =	vst v0  }
0x6d: {  	s22 =	sshrl.u32 s22, $0x3;
	[tilespmem:s23+$0x5930] =	vst v3  }
0x6e: {  	s22 =	sadd.s32 s2, s22;
	[tilespmem:s23+$0x5920] =	vst v1  }
0x6f: {  	[hbm4b:s22+s3] =	stream.linear.scatter [tilespmem:s14], [sflag:$0x3], $0x2000, $0x38;
	[tilespmem:$0x9900] =	vst v63  }
.Ltmp4:
0x70: {  	(pc) =	sbr.rel .LBB2_7-.Ltmp4, $4  }
0x71: {  	_ = 	snop  }
0x72: {  	_ =	swait.ge [sflag:s15], $0x2000  }
0x73: {  	[sflag:s15] =	ssyncset.done $0x0  }
0x74: {  	[sflag:s15] =	ssyncadd.s32 $0xFFFFE000  }
.LBB2_6:
0x75: {  	s22 =	sshrl.u32 s21, $0x2  }
.Ltmp5:
0x76: {  	s22 =	sadd.s32 $0x100, s22;
	(pc) =	sbr.rel @p0 .LBB2_8-.Ltmp5, $4  }
0x77: {  	[tilespmem:s11], [sflag:$0x1] =	stream.indirect.gather [hbm4b:s4+s10], $0x40, s22, s10, $0xb8;
	[tilespmem:$0x9900] =	vst v63  }
0x78: {  	_ =	swait.ge [sflag:s15], $0x2000  }
0x79: {  	[sflag:s15] =	ssyncset.done $0x0  }
0x7a: {  	[sflag:s15] =	ssyncadd.s32 $0xFFFFE000  }
.LBB2_7:
0x7b: {  	_ =	swait.ge [sflag:s16], $0x2000  }
0x7c: {  	[sflag:s16] =	ssyncset.done $0x0  }
0x7d: {  	[sflag:s16] =	ssyncadd.s32 $0xFFFFE000  }
.LBB2_8:
0x7e: {  	s22 =	simm.s32 $0x0  }
0x7f: {  	v0 =	vld [tilespmem:s22+$0x3920]  }
0x80: {  	v1 =	vld [tilespmem:s22+$0x3930]  }
0x81: {  	v4 =	vld [tilespmem:s22+$0x3910];
	_ =	sdelay $0x1  }
0x82: {  	v5 =	vld [tilespmem:s22+$0x3900]  }
0x83: {  	v2 =	vmul.f32 $1.442695020e+00, v0  }
0x84: {  	v3 =	vmul.f32 $1.442695020e+00, v1  }
0x85: {  	v6 =	vmul.f32 $1.442695020e+00, v4;
	(erf) = vpow2.f32 v2  }
0x86: {  	(erf) = vpow2.f32 v3  }
0x87: {  	v2 =	vmul.f32 $1.442695020e+00, v5;
	(erf) = vpow2.f32 v6  }
0x88: {  	s23 =	simm.s32 $0x40  }
0x89: {  	(erf) = vpow2.f32 v2;
	v2 =	vld [tilespmem:s23+$0x3920];
	_ =	sdelay $0x4  }
0x8a: {  	v18 =	vmul.f32 $1.442695020e+00, v2;
	v6 =	vpop (erf)  }
0x8b: {  	v3 =	vld [tilespmem:s23+$0x3930];
	v7 =	vpop (erf);
	v8 =	vmul.f32 v6, v0;
	v13 =	vmul.f32 v6, v6  }
0x8c: {  	v0 =	vld [tilespmem:s23+$0x3900];
	v15 =	vadd.f32 $1.000000000e+00, v6;
	(erf) = vpow2.f32 v18;
	v9 =	vmul.f32 v7, v1;
	v10 =	vpop (erf)  }
0x8d: {  	v11 =	vmul.f32 v7, v7;
	v12 =	vadd.f32 $1.000000000e+00, v7;
	v7 =	vmul.f32 v10, v10  }
0x8e: {  	v14 =	vadd.f32 $1.000000000e+00, v10;
	v6 =	vpop (erf);
	v4 =	vmul.f32 v10, v4;
	v17 =	vadd.f32 $1.000000000e+00, v13  }
0x8f: {  	v1 =	vld [tilespmem:s23+$0x3910];
	v10 =	vmul.f32 v6, v6;
	v19 =	vmul.f32 v6, v5;
	v5 =	vadd.f32 $1.000000000e+00, v6  }
0x90: {  	v6 =	vmul.f32 $1.442695020e+00, v3;
	v63 =	vadd.f32 $1.000000000e+00, v11;
	v16 =	vadd.f32 $1.000000000e+00, v7  }
0x91: {  	v23 =	vmul.f32 v17, v15;
	v21 =	vadd.f32 $1.000000000e+00, v10;
	v22 =	vmul.f32 $1.442695020e+00, v0  }
0x92: {  	(erf) = vpow2.f32 v6;
	v20 =	vmul.f32 v16, v14  }
0x93: {  	v10 =	vadd.f32 $-1.000000000e+00, v10;
	v25 =	vmul.f32 v63, v12;
	v6 =	vmul.f32 v21, v5  }
0x94: {  	v24 =	vmul.f32 $1.442695020e+00, v1;
	(erf) = vrcp.f32 v20  }
0x95: {  	v10 =	vmul.f32 v10, v5;
	(erf) = vrcp.f32 v6  }
0x96: {  	v5 =	vmul.f32 v63, v9;
	v6 =	vadd.f32 $-1.000000000e+00, v7;
	(erf) = vrcp.f32 v25  }
0x97: {  	v7 =	vmul.f32 $1.000000010e-01, v10;
	(erf) = vpow2.f32 v24  }
0x98: {  	v9 =	vadd.f32 $-1.000000000e+00, v11;
	v6 =	vmul.f32 v6, v14;
	(erf) = vrcp.f32 v23  }
0x99: {  	v10 =	vadd.f32 $-1.000000000e+00, v13;
	v13 =	vmul.f32 v16, v4;
	(erf) = vpow2.f32 v22  }
0x9a: {  	v12 =	vmul.f32 v9, v12;
	v14 =	vmul.f32 $1.000000010e-01, v6  }
0x9b: {  	v4 =	vpop (erf);
	v11 =	vmul.f32 v10, v15;
	v10 =	vmul.f32 v21, v19  }
0x9c: {  	s24 =	simm.s32 $0x200;
	v12 =	vmul.f32 $1.000000010e-01, v12;
	v6 =	vmul.f32 v17, v8;
	v8 =	vpop (erf);
	v9 =	vadd.f32 v14, v13  }
.LBB2_9:
0x9d: {  	s25 =	sshra.s32 s24, $0x2;
	p0 =	sne.s32 s24, $0x7F00;
	s24 =	sadd.s32 $0x100, s24;
	v13 =	vmul.f32 v4, v2;
	v16 =	vmul.f32 $1.000000010e-01, v11;
	v14 =	vpop (erf)  }
0x9e: {  	v15 =	vmul.f32 v8, v3;
	v2 =	vld [tilespmem:s25+$0x3920];
	v7 =	vadd.f32 v7, v10;
	v5 =	vadd.f32 v12, v5;
	v10 =	vpop (erf)  }
0x9f: {  	v12 =	vmul.f32 v8, v8;
	v20 =	vmul.f32 v9, v14;
	v3 =	vld [tilespmem:s25+$0x3930];
	v6 =	vadd.f32 v16, v6;
	v11 =	vpop (erf)  }
0xa0: {  	v8 =	vadd.f32 $1.000000000e+00, v8;
	v16 =	vmul.f32 v4, v4;
	v14 =	vld [tilespmem:s25+$0x3910];
	v17 =	vpop (erf);
	v5 =	vmul.f32 v5, v11  }
0xa1: {  	v7 =	vmul.f32 v7, v10;
	v11 =	vld [tilespmem:s25+$0x3900];
	v18 =	vmul.f32 v17, v17;
	v19 =	vadd.f32 $1.000000000e+00, v17;
	[tilespmem:s22+$0x7910] =	vst v20;
	v9 =	vpop (erf)  }
0xa2: {  	v10 =	vadd.f32 $1.000000000e+00, v4;
	v20 =	vadd.f32 $1.000000000e+00, v16;
	v4 =	vmul.f32 v17, v1;
	v1 =	vpop (erf);
	[tilespmem:s22+$0x7930] =	vst v5  }
0xa3: {  	v6 =	vmul.f32 v6, v9;
	v5 =	vmul.f32 v1, v1;
	v17 =	vadd.f32 $1.000000000e+00, v18;
	[tilespmem:s22+$0x7900] =	vst v7  }
0xa4: {  	v7 =	vmul.f32 $1.442695020e+00, v2;
	v9 =	vadd.f32 $1.000000000e+00, v1;
	v21 =	vmul.f32 v1, v0  }
0xa5: {  	v22 =	vmul.f32 $1.442695020e+00, v3;
	v23 =	vadd.f32 $1.000000000e+00, v5;
	v24 =	vmul.f32 v17, v19;
	[tilespmem:s22+$0x7920] =	vst v6;
	v1 =	vmovc v14;
	s22 =	smov.u32 s23;
	s23 =	smov.u32 s25  }
0xa6: {  	v14 =	vmul.f32 v20, v10;
	v5 =	vadd.f32 $-1.000000000e+00, v5;
	v6 =	vmul.f32 $1.442695020e+00, v11;
	v0 =	vmovc v11  }
0xa7: {  	v11 =	vmul.f32 $1.442695020e+00, v1;
	(erf) = vpow2.f32 v7;
	v7 =	vadd.f32 $1.000000000e+00, v12  }
0xa8: {  	v18 =	vadd.f32 $-1.000000000e+00, v18;
	(erf) = vpow2.f32 v22;
	v22 =	vmul.f32 v23, v9  }
0xa9: {  	v16 =	vadd.f32 $-1.000000000e+00, v16;
	v25 =	vmul.f32 v7, v8;
	(erf) = vrcp.f32 v24  }
0xaa: {  	v12 =	vadd.f32 $-1.000000000e+00, v12;
	v9 =	vmul.f32 v5, v9;
	(erf) = vrcp.f32 v22  }
0xab: {  	v5 =	vmul.f32 v7, v15;
	(erf) = vrcp.f32 v25  }
0xac: {  	v7 =	vmul.f32 $1.000000010e-01, v9;
	(erf) = vpow2.f32 v11  }
.Ltmp6:
0xad: {  	v9 =	vmul.f32 v18, v19;
	(erf) = vrcp.f32 v14;
	(pc) =	sbr.rel @p0 .LBB2_9-.Ltmp6, $4  }
0xae: {  	v14 =	vmul.f32 v17, v4;
	(erf) = vpow2.f32 v6  }
0xaf: {  	v12 =	vmul.f32 v12, v8;
	v9 =	vmul.f32 $1.000000010e-01, v9  }
0xb0: {  	v11 =	vmul.f32 v16, v10;
	v6 =	vmul.f32 v20, v13;
	v4 =	vpop (erf)  }
0xb1: {  	v12 =	vmul.f32 $1.000000010e-01, v12;
	v10 =	vmul.f32 v23, v21;
	v9 =	vadd.f32 v9, v14;
	v8 =	vpop (erf)  }
0xb2: {  	v13 =	vpop (erf)  }
0xb3: {  	v14 =	vpop (erf)  }
0xb4: {  	v15 =	vpop (erf)  }
0xb5: {  	v2 =	vmul.f32 v4, v2;
	v11 =	vmul.f32 $1.000000010e-01, v11;
	v16 =	vpop (erf)  }
0xb6: {  	v3 =	vmul.f32 v8, v3;
	v18 =	vmul.f32 v8, v8;
	v48 =	vadd.f32 $1.000000000e+00, v8;
	v17 =	vpop (erf)  }
0xb7: {  	v21 =	vmul.f32 v4, v4;
	v7 =	vadd.f32 v7, v10;
	v46 =	vmul.f32 v16, v16;
	v47 =	vpop (erf)  }
0xb8: {  	v5 =	vadd.f32 v12, v5;
	v24 =	vadd.f32 $1.000000000e+00, v18;
	v19 =	vmul.f32 v47, v47  }
0xb9: {  	v9 =	vmul.f32 v9, v13;
	v49 =	vadd.f32 $1.000000000e+00, v16;
	v20 =	vadd.f32 $1.000000000e+00, v46  }
0xba: {  	v5 =	vmul.f32 v5, v15;
	v22 =	vadd.f32 $1.000000000e+00, v47;
	v23 =	vadd.f32 $1.000000000e+00, v19  }
0xbb: {  	v51 =	vadd.f32 $1.000000000e+00, v4;
	v7 =	vmul.f32 v7, v14;
	v50 =	vmul.f32 v20, v49  }
0xbc: {  	v25 =	vadd.f32 $1.000000000e+00, v21;
	v53 =	vmul.f32 v24, v48;
	v52 =	vmul.f32 v23, v22  }
0xbd: {  	v56 =	vadd.f32 $-1.000000000e+00, v18;
	v1 =	vmul.f32 v16, v1;
	(erf) = vrcp.f32 v50  }
0xbe: {  	v58 =	vadd.f32 $-1.000000000e+00, v21;
	v54 =	vmul.f32 v25, v51;
	(erf) = vrcp.f32 v52  }
0xbf: {  	v3 =	vmul.f32 v24, v3;
	v10 =	vadd.f32 $-1.000000000e+00, v46;
	(erf) = vrcp.f32 v53  }
0xc0: {  	v8 =	vmul.f32 v56, v48;
	v55 =	vadd.f32 $-1.000000000e+00, v19;
	(erf) = vrcp.f32 v54  }
0xc1: {  	v4 =	vmul.f32 v58, v51;
	v10 =	vmul.f32 v10, v49  }
0xc2: {  	v0 =	vmul.f32 v47, v0;
	v57 =	vmul.f32 v55, v22  }
0xc3: {  	v1 =	vmul.f32 v20, v1;
	v10 =	vmul.f32 $1.000000010e-01, v10  }
0xc4: {  	v6 =	vadd.f32 v11, v6;
	v0 =	vmul.f32 v23, v0;
	v59 =	vmul.f32 $1.000000010e-01, v57  }
0xc5: {  	[tilespmem:s22+$0x7910] =	vst v9;
	v2 =	vmul.f32 v25, v2;
	v8 =	vmul.f32 $1.000000010e-01, v8;
	v1 =	vadd.f32 v10, v1  }
0xc6: {  	v6 =	vmul.f32 v6, v17;
	[tilespmem:s22+$0x7930] =	vst v5;
	v4 =	vmul.f32 $1.000000010e-01, v4;
	v0 =	vadd.f32 v59, v0;
	v60 =	vpop (erf)  }
0xc7: {  	[tilespmem:s22+$0x7900] =	vst v7;
	v3 =	vadd.f32 v8, v3;
	v1 =	vmul.f32 v1, v60;
	v61 =	vpop (erf)  }
0xc8: {  	p0 =	seq.s32 s20, $0x18;
	[tilespmem:s22+$0x7920] =	vst v6;
	v2 =	vadd.f32 v4, v2;
	v62 =	vpop (erf);
	v0 =	vmul.f32 v0, v61  }
.Ltmp7:
0xc9: {  	[tilespmem:s23+$0x7910] =	vst v1;
	v3 =	vmul.f32 v3, v62;
	v63 =	vpop (erf);
	(pc) =	sbr.rel @p0 .LBB2_12-.Ltmp7, $4  }
0xca: {  	v1 =	vmul.f32 v2, v63;
	[tilespmem:s23+$0x7900] =	vst v0  }
0xcb: {  	s31 =	sshll.u32 s20, $0xB;
	[tilespmem:s23+$0x7930] =	vst v3  }
0xcc: {  	s22 =	sadd.s32 s8, s31;
	[tilespmem:s23+$0x7920] =	vst v1  }
0xcd: {  	[hbm4b:s22+s3] =	stream.linear.scatter [tilespmem:s17], [sflag:$0x4], $0x2000, $0x38;
	[tilespmem:$0x9900] =	vst v63  }
.Ltmp8:
0xce: {  	(pc) =	sbr.rel .LBB2_2-.Ltmp8, $4  }
0xcf: {  	_ = 	snop  }
0xd0: {  	s21 =	sshrl.u32 s21, $0x2  }
0xd1: {  	s20 =	sadd.s32 $0x1, s20;
	s21 =	sadd.s32 $0x180, s21  }
0xd2: {  	[tilespmem:s12], [sflag:$0x2] =	stream.indirect.gather [hbm4b:s4+s10], $0x40, s21, s10, $0xb8;
	[tilespmem:$0x9900] =	vst v63  }
.LBB2_13:
0xd3: {  	_ =	sfence.sel $0x180000  }
0xd4: {  	[bflag:$0x0] =	sbarrier.arrive $0xFFFF  }
0xd5: {  	p0 =	sne.s32 s0, $0x0;
	_ =	strace $0x90000047  }
0xd6: {  	s0 =	sadd.s32 @!p0 $0x100000, s1;
	[bflag:$0x2] =	sbarrier.arrive $0xFFFF  }
0xd7: {  	[sflag:s0] =	ssyncadd.tile.s32 @!p0 $0x1;
	_ =	shalt  }
.Lfunc_end2:
_tile_overlayer_lowered:
.L_overlay_start_2:
0xd8: {  	(tag) =	ssettag $0x2  }
0xd9: {  	s0 =	rddreg [dreg:$0x0];
	s2 =	stileid.u32  }
0xda: {  	s1 =	rddreg [dreg:$0x1];
	p0 =	sne.s32 s2, $0x0  }
0xdb: {  	s3 =	rddreg [dreg:$0x2];
	[bflag:$0x3] =	sbarrier.arrive $0xFFFF;
	s2 =	simm.s32 @!p0 $0x1C05  }
0xdc: {  	[timem:s3], [sflag:s2] =	dma.local @!p0 [hbm:s0], s1  }
0xdd: {  	s0 =	simm.s32 @!p0 $0x5  }
0xde: {  	_ =	swait.ge @!p0 [sflag:s0], s1  }
0xdf: {  	s1 =	ssub.s32 @!p0 $0x0, s1;
	[sflag:s0] =	ssyncset.done @!p0 $0x0  }
0xe0: {  	[sflag:s0] =	ssyncadd.s32 @!p0 s1  }
0xe1: {  	[bflag:$0x3] =	sbarrier.arrive $0xFFFF  }
0xe2: {  	_ =	shalt  }

// kernel: sparse-core-data-format-call.cloned.1.call-start
scs
called_computation_lowered:
.L_overlay_start_0:
0x0: {  	s2 =	sld [smem:$0x3FD9]  }
0x1: {  	s3 =	sld [smem:$0x3FFE];
	_ =	sdelay $0x1  }
0x2: {  	s1 =	srdreg.scid  }
0x3: {  	s0 =	sand.u32 $0x1, s1  }
0x4: {  	s18 =	sshll.u32 s0, $0xA;
	s2 =	sadd.s32 s3, s2  }
0x5: {  	s2 =	sadd.s32 s2, s18  }
0x6: {  	[smem:$0x3FC6] =	sst s2  }
0x7: {  	_ = 	snop  }
0x8: {  	s2 =	sld [smem:$0x3FD0];
	(tm) =	ssettm $0x1  }
0x9: {  	s19 =	sld [smem:$0x3FFB];
	_ =	sdelay $0x3  }
0xa: {  	_ =	strace s19  }
0xb: {  	s3 =	sld [smem:$0x3FFC];
	_ =	sdelay $0x3  }
0xc: {  	_ =	strace s3  }
0xd: {  	s3 =	sld [smem:$0x3FFD];
	_ =	sdelay $0x3  }
0xe: {  	_ =	strace s3  }
0xf: {  	_ =	strace $0x8FFFFFFF  }
0x10: {  	s20 =	sld [smem:$0x3FDB];
	_ =	sdelay $0x1  }
0x11: {  	s4 =	simm.s32 $_scs_section_size  }
0x12: {  	s5 =	simm.s32 $_size__tile_overlayer_lowered;
	s6 =	simm.s32 $_tile_overlayer_lowered  }
0x13: {  	s23 =	simm.s32 $0x1BFF;
	s22 =	sshll.u32 s6, $0x1;
	s3 =	sadd.s32 s4, s20  }
0x14: {  	s7 =	simm.s32 $0x0;
	s21 =	sshll.u32 s5, $0x1;
	s5 =	sadd.s32 s22, s3  }
0x15: {  	[timem:s7], [sflag:s23] =	dma.local [hbm:s5], s21  }
0x16: {  	_ =	swait.ge [sflag:s23], s21  }
0x17: {  	s4 =	ssub.s32 $0x0, s21;
	[sflag:s23] =	ssyncset.done $0x0  }
0x18: {  	[sflag:s23] =	ssyncadd.s32 s4;
	_ =	sdelay $0x1  }
0x19: {  	s24 =	simm.s32 $0x1B8B  }
0x1a: {  	_ =	swait.ge [sflag:s24], $0x1  }
0x1b: {  	[sflag:s24] =	ssyncset.done $0x0  }
0x1c: {  	s26 =	simm.s32 $0x1B8E;
	s25 =	sld [smem:$0x3FFE];
	[sflag:s24] =	ssyncadd.s32 $0xFFFFFFFF  }
0x1d: {  	s27 =	simm.s32 $execute0_lowered;
	[smem:$0x3FD2] =	sst s26  }
0x1e: {  	s5 =	sshll.u32 s27, $0x1;
	_ =	strace $0x80000049;
	[dreg:$0x1] =	wrdreg $0xFFFFFFFF  }
0x1f: {  	s28 =	simm.s32 $_size_execute0_lowered;
	s3 =	sadd.s32 s3, s5;
	[dreg:$0x0] =	wrdreg $0x0  }
0x20: {  	s5 =	sshll.u32 s28, $0x1;
	[dreg:$0x2] =	wrdreg s3  }
0x21: {  	[dreg:$0x3] =	wrdreg s5  }
0x22: {  	[dreg:$0x4] =	wrdreg $0xC0  }
0x23: {  	_ =	task [dreg:s7], $0x5FFFF  }
0x24: {  	[dreg:$0x1] =	wrdreg $0xFFFFFFFF  }
0x25: {  	[dreg:$0x0] =	wrdreg $0x60  }
0x26: {  	[dreg:$0x2] =	wrdreg s25  }
0x27: {  	[dreg:$0x3] =	wrdreg s2  }
0x28: {  	[dreg:$0x4] =	wrdreg $0x9  }
0x29: {  	_ =	task.clear_ibuf [dreg:s7], $0x5FFFF;
	_ =	strace $0x90000049  }
0x2a: {  	s29 =	simm.s32 $0x9;
	_ =	strace $0x8000004B  }
0x2b: {  	_ =	swait.ge [sflag:s29], $0x1  }
0x2c: {  	[sflag:s29] =	ssyncadd.s32 $0xFFFFFFFF  }
0x2d: {  	_ =	strace $0x9000004B  }
0x2e: {  	_ =	sfence  }
0x2f: {  	s30 =	sld [smem:$0x0];
	_ =	sdelay $0x2  }
0x30: {  	s31 =	sshll.u32 s1, $0xD;
	s1 =	sshrl.u32 s1, $0x2  }
0x31: {  	s3 =	sand.u32 $0x4000, s31;
	s1 =	sadd.s32 s1, s30  }
0x32: {  	s0 =	sor.u32 s3, s0;
	s1 =	sshll.u32 s1, $0x11  }
0x33: {  	s0 =	sor.u32 s1, s0  }
0x34: {  	s0 =	sadd.s32 $0x8F2B, s0  }
0x35: {  	[sflag:s0] =	ssyncadd.remote.s32 $0x1  }
0x36: {  	_ =	sfence.sel $0xFFFF  }
0x37: {  	[dreg:$0x0] =	wrdreg $0xFFFFFFFF;
	(pc) =	sbr.abs _section_cstart, $3  }
0x38: {  	[dreg:$0x1] =	wrdreg $0xFFFFFFFF  }
0x39: {  	_ =	task.clear_ibuf [dreg:s7], $0x2FFFF;
	_ =	strace $0x9FFFFFFF  }
0x3a: {  	(tm) =	ssettm $0x7FFFFFFF  }
0x3b: {  	_ =	shalt  }
tec
execute0_lowered:
.L_overlay_start_1:
0x0: {  	(tag) =	ssettag $0x1  }
0x1: {  	s0 =	srdreg.scid  }
0x2: {  	s1 =	sshll.u32 s0, $0x4  }
0x3: {  	s0 =	stileid.u32;
	s1 =	sand.u32 $0x10, s1  }
0x4: {  	s1 =	sor.u32 s0, s1  }
0x5: {  	s6 =	rddreg [dreg:$0x0];
	s4 =	simm.s32 $0x1;
	s2 =	sshll.u32 s1, $0x7  }
0x6: {  	s7 =	simm.s32 $0x2;
	s12 =	simm.s32 $0x0;
	s1 =	ssub.s32 $0x1000, s2  }
0x7: {  	s8 =	simm.s32 $0x8000;
	s13 =	simm.s32 $0x0;
	s3 =	sand.u32 $0xF80, s1  }
0x8: {  	s9 =	simm.s32 $0x0;
	s5 =	sshrl.u32 s1, $0xC;
	p0 =	sne.s32 s3, $0x0  }
.Ltmp0:
0x9: {  	s1 =	rddreg [dreg:$0x2];
	s4 =	simm.s32 @!p0 $0x0;
	(pc) =	sbr.rel .LBB1_1-.Ltmp0, $4  }
0xa: {  	s11 =	simm.s32 $0x0;
	s3 =	rddreg [dreg:$0x1];
	s5 =	sadd.s32 s4, s5  }
0xb: {  	_ =	strace $0x8000004A;
	s4 =	simm.s32 $0x1;
	s5 =	smul.u32 $0x32, s5  }
0xc: {  	s6 =	sadd.s32 $0xA00, s6;
	s10 =	smov.u32 s2;
	[sflag:s4] =	ssyncpa.u1 $0x0  }
0xd: {  	p0 =	por $0x0, $0x0;
	[sflag:s7] =	ssyncpa.u1 $0x0;
	s7 =	sor.u32 $0x1, s5  }
.LBB1_4:
0xe: {  	s16 =	sshll.u32 s13, $0x3;
	s17 =	sand.u32 $0x78, s13  }
0xf: {  	s30 =	sand.u32 $0x7E00, s13;
	s12 =	sshll.u32 s12, $0xF;
	s16 =	sand.u32 $0xC00, s16  }
0x10: {  	[tilespmem:s15+$0x810 ss:$0x81] =	vst.msk $0xffff, v2;
	s31 =	sand.u32 $0x7, s13;
	s16 =	sor.u32 s17, s16;
	s17 =	sadd.s32 s3, s30  }
0x11: {  	[tilespmem:s15+$0x1020 ss:$0x81] =	vst.msk $0xffff, v0;
	s13 =	sshll.u32 s31, $0x12;
	s12 =	sadd.s32 s12, s17;
	s16 =	sshrl.u32 s16, $0x3  }
0x12: {  	[tilespmem:s15+$0x0 ss:$0x81] =	vst.msk $0xffff, v1;
	s13 =	sor.u32 $0x400, s13;
	s12 =	sadd.s32 s16, s12  }
0x13: {  	[hbm4b:s12+s13] =	stream.strided.scatter [tilespmem:s14], [sflag:$0x2], $0x2000, s8, s13, $0x20;
	[tilespmem:$0x8080] =	vst v63  }
.LBB1_5:
0x14: {  	s14 =	sadd.s32 $0x1, s9  }
0x15: {  	s12 =	sadd.s32 $0x1000, s10;
	s16 =	smov.u32 s10;
	p2 =	sgt.s32 s14, $0x31  }
0x16: {  	s16 =	smov.u32 @p2 s12  }
0x17: {  	s14 =	simm.s32 @p2 $0x0;
	p2 =	sgt.s32 s16, $0xFFF  }
0x18: {  	s16 =	smov.u32 @p2 s2;
	p2 =	sne.s32 s11, s7  }
.Ltmp1:
0x19: {  	p1 =	slt.u32 s11, $0x2;
	(pc) =	sbr.rel @!p2 .LBB1_6-.Ltmp1, $4  }
0x1a: {  	s15 =	simm.s32 @!p1 $0x2  }
0x1b: {  	s13 =	smov.u32 s10;
	p0 =	por !p0, !p0;
	_ =	swait.ge @!p1 [sflag:s15], $0x2000  }
0x1c: {  	s12 =	smov.u32 s9;
	[sflag:s15] =	ssyncset.done @!p1 $0x0;
	s9 =	smov.u32 s14  }
0x1d: {  	s11 =	sadd.s32 $0x1, s11;
	[sflag:s15] =	ssyncadd.s32 @!p1 $0xFFFFE000;
	s10 =	smov.u32 s16  }
.LBB1_1:
0x1e: {  	p1 =	sge.u32 s11, s5  }
0x1f: {  	s14 =	sand.u32 @!p1 $0x1FFFFFF, s9  }
0x20: {  	s15 =	smulhi.u32 @!p1 $0x4924925, s14;
	_ =	sdelay $0x1  }
0x21: {  	s15 =	smul.u32 @!p1 $0x38, s15  }
0x22: {  	s16 =	sxor.u32 @!p1 $0xFFFFFFFF, s11;
	s17 =	smul.u32 @!p1 $0x380, s10  }
0x23: {  	s31 =	sadd.s32 $0xFFFFFFFF, s11;
	s16 =	sshll.u32 @!p1 s16, $0xD;
	s14 =	ssub.s32 @!p1 s14, s15  }
0x24: {  	s15 =	sand.u32 @!p1 $0x2000, s16;
	s16 =	sadd.s32 @!p1 s6, s17;
	s14 =	sshll.u32 @!p1 s14, $0x4  }
0x25: {  	s17 =	simm.s32 @!p1 $0x1C00;
	s14 =	sadd.s32 @!p1 s14, s16;
	s16 =	simm.s32 @!p1 $0x40  }
0x26: {  	[tilespmem:s15], [sflag:$0x1] =	stream.strided.gather @!p1 [hbm4b:s14+s16], $0x2000, s17, s16, $0x38;
	[tilespmem:$0x8080] =	vst v63  }
0x27: {  	p1 =	sge.u32 s31, s5  }
.Ltmp2:
0x28: {  	_ = 	snop;
	(pc) =	sbr.rel @p1 .LBB1_5-.Ltmp2, $1  }
0x29: {  	_ =	sdelay $0x3  }
0x2a: {  	s14 =	simm.s32 $0x1  }
0x2b: {  	_ =	swait.ge [sflag:s4], $0x2000;
	s14 =	simm.s32 @!p0 $0x0  }
0x2c: {  	[sflag:s4] =	ssyncset.done $0x0;
	s15 =	sshll.u32 s14, $0xD  }
0x2d: {  	[sflag:s4] =	ssyncadd.s32 $0xFFFFE000;
	s18 =	sor.u32 $0x20, s15  }
0x2e: {  	s14 =	smul.u32 $0x8100, s14;
	v3 =	vld [tilespmem:s18+$0x10]  }
0x2f: {  	s30 =	sand.u32 $0x1, s11;
	v2 =	vld [tilespmem:s18+$0xFFFFFFF0]  }
0x30: {  	s15 =	smul.u32 $0x8100, s30;
	s14 =	sshrl.u32 s14, $0x2;
	v0 =	vld [tilespmem:s18+$0x0]  }
0x31: {  	v1 =	vld [tilespmem:s18+$0xFFFFFFE0];
	s16 =	sor.u32 $0x4000, s14  }
0x32: {  	s31 =	sshrl.u32 s15, $0x2;
	s15 =	sadd.s32 $0x0, s16  }
0x33: {  	s17 =	simm.s32 $0x4;
	s18 =	sadd.s32 $0x40, s18;
	s14 =	sor.u32 $0x4000, s31;
	[tilespmem:s15+$0x1830 ss:$0x81] =	vst.msk $0xffff, v3  }
.LBB1_3:
0x34: {  	v3 =	vld [tilespmem:s18+$0x10];
	p1 =	sne.s32 s17, $0x1FC;
	[tilespmem:s15+$0x810 ss:$0x81] =	vst.msk $0xffff, v2;
	s19 =	smov.u32 s17;
	s17 =	sadd.s32 $0x4, s17  }
.Ltmp3:
0x35: {  	v2 =	vld [tilespmem:s18+$0xFFFFFFF0];
	[tilespmem:s15+$0x1020 ss:$0x81] =	vst.msk $0xffff, v0;
	(pc) =	sbr.rel @p1 .LBB1_3-.Ltmp3, $4  }
0x36: {  	v0 =	vld [tilespmem:s18+$0x0];
	[tilespmem:s15+$0x0 ss:$0x81] =	vst.msk $0xffff, v1  }
0x37: {  	s15 =	sshra.s32 s19, $0x2;
	v1 =	vld [tilespmem:s18+$0xFFFFFFE0]  }
0x38: {  	s15 =	sadd.s32 s15, s16  }
0x39: {  	s18 =	sadd.s32 $0x40, s18;
	[tilespmem:s15+$0x1830 ss:$0x81] =	vst.msk $0xffff, v3  }
.Ltmp4:
0x3a: {  	_ = 	snop;
	(pc) =	sbr.rel .LBB1_4-.Ltmp4, $1  }
0x3b: {  	_ =	sdelay $0x3  }
.LBB1_6:
0x3c: {  	_ =	sfence.sel $0x180000  }
0x3d: {  	s2 =	simm.s32 $0x1;
	[bflag:$0x0] =	sbarrier.arrive $0xFFFF  }
0x3e: {  	s31 =	simm.s32 $0x2;
	[sflag:s2] =	ssyncpa.u1 $0x1  }
0x3f: {  	[sflag:s31] =	ssyncpa.u1 $0x1  }
0x40: {  	p0 =	sne.s32 s0, $0x0;
	_ =	strace $0x9000004A  }
0x41: {  	s0 =	sadd.s32 @!p0 $0x100000, s1;
	[bflag:$0x2] =	sbarrier.arrive $0xFFFF  }
0x42: {  	[sflag:s0] =	ssyncadd.tile.s32 @!p0 $0x1;
	_ =	shalt  }
.Lfunc_end1:
_tile_overlayer_lowered:
.L_overlay_start_2:
0x43: {  	(tag) =	ssettag $0x2  }
0x44: {  	s0 =	rddreg [dreg:$0x0];
	s2 =	stileid.u32  }
0x45: {  	s1 =	rddreg [dreg:$0x1];
	p0 =	sne.s32 s2, $0x0  }
0x46: {  	s3 =	rddreg [dreg:$0x2];
	[bflag:$0x3] =	sbarrier.arrive $0xFFFF;
	s2 =	simm.s32 @!p0 $0x1C01  }
0x47: {  	[timem:s3], [sflag:s2] =	dma.local @!p0 [hbm:s0], s1  }
0x48: {  	s0 =	simm.s32 @!p0 $0x1  }
0x49: {  	_ =	swait.ge @!p0 [sflag:s0], s1  }
0x4a: {  	s1 =	ssub.s32 @!p0 $0x0, s1;
	[sflag:s0] =	ssyncset.done @!p0 $0x0  }
0x4b: {  	[sflag:s0] =	ssyncadd.s32 @!p0 s1  }
0x4c: {  	[bflag:$0x3] =	sbarrier.arrive $0xFFFF  }
0x4d: {  	_ =	shalt  }

</sc_bundles>
